<compile_context>
chip_gen: v7x
topology: tpu7x:2x2x1
jax: 0.10.2.dev20260603
libtpu: 0.0.44.dev20260713+nightly
codegen_flags: <defaults>
</compile_context>

<pallas_src>
import jax
import jax.numpy as jnp
from jax import lax
from jax.experimental import pallas as pl
from jax.experimental.pallas import tpu as pltpu
from jax.experimental.pallas import tpu_sc as plsc

_BATCH = 16384
_LEN = 200
_VOCAB = 20000
_NTILES = 16
_COLS_PER_TILE = _BATCH // _NTILES
_CCOLS = 128
_NCHUNK = _COLS_PER_TILE // _CCOLS
_NBUF = 2
_LANES = 16
_SLICES = _CCOLS // _LANES


def _body(src_hbm, tgt_hbm, srctab_hbm, tgttab_hbm, src_out, tgt_out,
          tab_v, *rest):
    ids_bufs = rest[0:_NBUF]
    out_bufs = rest[_NBUF:2 * _NBUF]
    si = rest[2 * _NBUF:3 * _NBUF]
    so = rest[3 * _NBUF:4 * _NBUF]
    c = lax.axis_index("c")
    s = lax.axis_index("s")

    def do_side(ids_hbm, tab_hbm, out_hbm):
        col0 = s * _COLS_PER_TILE

        for b in range(_NBUF):
            pltpu.async_copy(
                ids_hbm.at[:, pl.ds(col0 + b * _CCOLS, _CCOLS)],
                ids_bufs[b], si[b],
            )
        pltpu.sync_copy(tab_hbm, tab_v)

        def outer(i, carry):
            for b in range(_NBUF):
                ids_v, out_v, sem_i, sem_o = (
                    ids_bufs[b], out_bufs[b], si[b], so[b]
                )
                kk = i * _NBUF + b
                base = col0 + kk * _CCOLS

                pltpu.make_async_copy(
                    ids_hbm.at[:, pl.ds(base, _CCOLS)], ids_v, sem_i
                ).wait()

                @pl.when(kk >= _NBUF)
                def _():
                    pltpu.make_async_copy(
                        out_v, out_hbm.at[:, pl.ds(base, _CCOLS)], sem_o
                    ).wait()

                def gather_row(r, carry2):
                    idxs = [
                        ids_v[r, pl.ds(t * _LANES, _LANES)]
                        for t in range(_SLICES)
                    ]
                    vals = [plsc.load_gather(tab_v, [i]) for i in idxs]
                    for t, val in enumerate(vals):
                        out_v[r, pl.ds(t * _LANES, _LANES)] = val
                    return carry2

                lax.fori_loop(0, _LEN, gather_row, 0)

                pltpu.async_copy(
                    out_v, out_hbm.at[:, pl.ds(base, _CCOLS)], sem_o
                )

                @pl.when(kk + _NBUF < _NCHUNK)
                def _():
                    pltpu.async_copy(
                        ids_hbm.at[:, pl.ds(base + _NBUF * _CCOLS, _CCOLS)],
                        ids_v,
                        sem_i,
                    )

            return carry

        lax.fori_loop(0, _NCHUNK // _NBUF, outer, 0)

        for b in range(_NBUF):
            pltpu.make_async_copy(
                out_bufs[b], out_hbm.at[:, pl.ds(col0, _CCOLS)], so[b]
            ).wait()

    @pl.when(c == 0)
    def _():
        do_side(src_hbm, srctab_hbm, src_out)

    @pl.when(c == 1)
    def _():
        do_side(tgt_hbm, tgttab_hbm, tgt_out)


def kernel(src_ids, tgt_ids, src_table, tgt_table):
    mesh = plsc.VectorSubcoreMesh(core_axis_name="c", subcore_axis_name="s")
    f = pl.kernel(
        _body,
        mesh=mesh,
        out_type=(
            jax.ShapeDtypeStruct((_LEN, _BATCH), jnp.float32),
            jax.ShapeDtypeStruct((_LEN, _BATCH), jnp.float32),
        ),
        scratch_types=(
            [pltpu.VMEM((_VOCAB,), jnp.float32)]
            + [pltpu.VMEM((_LEN, _CCOLS), jnp.int32) for _ in range(_NBUF)]
            + [pltpu.VMEM((_LEN, _CCOLS), jnp.float32) for _ in range(_NBUF)]
            + [pltpu.SemaphoreType.DMA for _ in range(2 * _NBUF)]
        ),
        compiler_params=pltpu.CompilerParams(needs_layout_passes=False),
    )
    src_t, tgt_t = f(src_ids.T, tgt_ids.T, src_table, tgt_table)
    return (src_t.T, tgt_t.T)

# --- scband reference (transcript-rebuilt; emitter-appended) ---
"""Pipeline reference for scband-text-preprocess-9079560864482 (READ-ONLY COPY).

The authoritative reference and input builder live on the scoring server;
editing this copy changes nothing except your own understanding.
"""

import jax, jax.numpy as jnp
import numpy as np

BATCH = 16384
SRC_LEN = 200
TGT_LEN = 200
SRC_VOCAB = 20000
TGT_VOCAB = 20000


def setup_inputs(seed: int = 0) -> dict:
    key = jax.random.key(seed)
    k1, k2, k3, k4 = jax.random.split(key, 4)
    # Pre-tokenized integer token ids (the output domain of TextVectorization's
    # string->int hashing; strings themselves are not representable in jax).
    src_ids = jax.random.randint(k1, (BATCH, SRC_LEN), 0, SRC_VOCAB, dtype=jnp.int32)
    tgt_ids = jax.random.randint(k2, (BATCH, TGT_LEN), 0, TGT_VOCAB, dtype=jnp.int32)
    # Vocabulary lookup tables (the learned/adapted vocab mapping of each
    # TextVectorization layer), represented as float32 so the lookup is a
    # standard gather with a well-defined vjp.
    src_table = jax.random.normal(k3, (SRC_VOCAB,), dtype=jnp.float32)
    tgt_table = jax.random.normal(k4, (TGT_VOCAB,), dtype=jnp.float32)
    return {"src_ids": src_ids, "tgt_ids": tgt_ids, "src_table": src_table, "tgt_table": tgt_table}


def reference(src_ids, tgt_ids, src_table, tgt_table):
    # create_integer_ds: map each token of the source/target text through its
    # language's vocabulary lookup (TextVectorization output_mode='int',
    # output_sequence_length fixed at SRC_LEN/TGT_LEN -> shapes [B, L]).
    src_int_samples = jnp.take(src_table, src_ids, axis=0)
    tgt_int_samples = jnp.take(tgt_table, tgt_ids, axis=0)
    return (src_int_samples, tgt_int_samples)

if __name__ == "__main__":
    import jax
    _d = setup_inputs()
    print(jax.jit(kernel)(*tuple(_d.values())))

</pallas_src>

<mosaic_0001>
#map = affine_map<(d0, d1) -> (0, 0)>
#map1 = affine_map<(d0, d1) -> (0)>
module attributes {stable_mosaic.version = 14 : i64} {
  func.func @_body(%arg0: i32, %arg1: i32, %arg2: memref<200x16384xi32, #tpu.memory_space<hbm>>, %arg3: memref<200x16384xi32, #tpu.memory_space<hbm>>, %arg4: memref<20000xf32, #tpu.memory_space<hbm>>, %arg5: memref<20000xf32, #tpu.memory_space<hbm>>, %arg6: memref<200x16384xf32, #tpu.memory_space<hbm>>, %arg7: memref<200x16384xf32, #tpu.memory_space<hbm>>, %arg8: memref<20000xf32, #tpu.memory_space<vmem>>, %arg9: memref<200x128xi32, #tpu.memory_space<vmem>>, %arg10: memref<200x128xi32, #tpu.memory_space<vmem>>, %arg11: memref<200x128xf32, #tpu.memory_space<vmem>>, %arg12: memref<200x128xf32, #tpu.memory_space<vmem>>, %arg13: memref<!tpu.dma_semaphore, #tpu.memory_space<semaphore_mem>>, %arg14: memref<!tpu.dma_semaphore, #tpu.memory_space<semaphore_mem>>, %arg15: memref<!tpu.dma_semaphore, #tpu.memory_space<semaphore_mem>>, %arg16: memref<!tpu.dma_semaphore, #tpu.memory_space<semaphore_mem>>) attributes {dimension_semantics = [#tpu.dimension_semantics<core_parallel>, #tpu.dimension_semantics<subcore_parallel>], iteration_bounds = array<i64: 2, 16>, scalar_prefetch = 0 : i64, scratch_operands = 9 : i64, tpu.core_type = #tpu.core_type<sc_vector_subcore>, window_params = [{transform_indices = #map}, {transform_indices = #map}, {transform_indices = #map1}, {transform_indices = #map1}, {transform_indices = #map}, {transform_indices = #map}]} {
    %eq3A = arith.constant 0 : i32
    %eq3A_0 = arith.cmpi eq, %arg0, %eq3A : i32
    %convert_element_type3A = arith.extui %eq3A_0 : i1 to i32
    %cond3A = arith.constant 0 : i32
    %cond3A_1 = arith.cmpi ne, %convert_element_type3A, %cond3A : i32
    scf.if %cond3A_1 {
      %mul3A = arith.constant 1024 : i32
      %mul3A_7 = arith.muli %arg1, %mul3A : i32
      %add3A = arith.constant 0 : i32
      %add3A_8 = arith.addi %mul3A_7, %add3A : i32
      %dma_start3A = arith.constant 0 : i32
      %dma_start3A_9 = tpu.memref_slice %arg2[%dma_start3A, %add3A_8] : memref<200x16384xi32, #tpu.memory_space<hbm>> -> memref<200x128xi32, #tpu.memory_space<hbm>>
      %dma_start3A_10 = arith.constant 0 : i32
      %dma_start3A_11 = tpu.memref_slice %arg2[%dma_start3A_10, %add3A_8] : memref<200x16384xi32, #tpu.memory_space<hbm>> -> memref<200x128xi32, #tpu.memory_space<hbm>>
      tpu.enqueue_dma source(%dma_start3A_11 : memref<200x128xi32, #tpu.memory_space<hbm>>) target(%arg9 : memref<200x128xi32, #tpu.memory_space<vmem>>) target_semaphore(%arg13 : memref<!tpu.dma_semaphore, #tpu.memory_space<semaphore_mem>>)
      %add3A_12 = arith.constant 128 : i32
      %add3A_13 = arith.addi %mul3A_7, %add3A_12 : i32
      %dma_start3A_14 = arith.constant 0 : i32
      %dma_start3A_15 = tpu.memref_slice %arg2[%dma_start3A_14, %add3A_13] : memref<200x16384xi32, #tpu.memory_space<hbm>> -> memref<200x128xi32, #tpu.memory_space<hbm>>
      %dma_start3A_16 = arith.constant 0 : i32
      %dma_start3A_17 = tpu.memref_slice %arg2[%dma_start3A_16, %add3A_13] : memref<200x16384xi32, #tpu.memory_space<hbm>> -> memref<200x128xi32, #tpu.memory_space<hbm>>
      tpu.enqueue_dma source(%dma_start3A_17 : memref<200x128xi32, #tpu.memory_space<hbm>>) target(%arg10 : memref<200x128xi32, #tpu.memory_space<vmem>>) target_semaphore(%arg14 : memref<!tpu.dma_semaphore, #tpu.memory_space<semaphore_mem>>)
      "tpu.region"() ({
        %run_scoped3A = tpu.sem_alloc : memref<!tpu.dma_semaphore, #tpu.memory_space<semaphore_mem>>
        tpu.enqueue_dma source(%arg4 : memref<20000xf32, #tpu.memory_space<hbm>>) target(%arg8 : memref<20000xf32, #tpu.memory_space<vmem>>) target_semaphore(%run_scoped3A : memref<!tpu.dma_semaphore, #tpu.memory_space<semaphore_mem>>)
        tpu.wait_dma2 semaphore(%run_scoped3A : memref<!tpu.dma_semaphore, #tpu.memory_space<semaphore_mem>>) src(%arg4 : memref<20000xf32, #tpu.memory_space<hbm>>) dst(%arg8 : memref<20000xf32, #tpu.memory_space<vmem>>)
        tpu.yield
      }) : () -> ()
      %scan3A = arith.constant 0 : i32
      %scan3A_18 = arith.constant 0 : i32
      %scan3A_19 = arith.constant 4 : i32
      %scan3A_20 = arith.addi %scan3A_18, %scan3A_19 : i32
      %scan3A_21 = arith.constant 1 : i32
      scf.for %scan3A_30 = %scan3A_18 to %scan3A_20 step %scan3A_21  : i32 {
        %mul3A_31 = arith.constant 2 : i32
        %mul3A_32 = arith.muli %scan3A_30, %mul3A_31 : i32
        %add3A_33 = arith.constant 0 : i32
        %add3A_34 = arith.addi %mul3A_32, %add3A_33 : i32
        %mul3A_35 = arith.constant 128 : i32
        %mul3A_36 = arith.muli %add3A_34, %mul3A_35 : i32
        %add3A_37 = arith.addi %mul3A_7, %mul3A_36 : i32
        %dma_wait3A_38 = arith.constant 0 : i32
        %dma_wait3A_39 = tpu.memref_slice %arg2[%dma_wait3A_38, %add3A_37] : memref<200x16384xi32, #tpu.memory_space<hbm>> -> memref<200x128xi32, #tpu.memory_space<hbm>>
        %dma_wait3A_40 = arith.constant 0 : i32
        %dma_wait3A_41 = tpu.memref_slice %arg2[%dma_wait3A_40, %add3A_37] : memref<200x16384xi32, #tpu.memory_space<hbm>> -> memref<200x128xi32, #tpu.memory_space<hbm>>
        tpu.wait_dma2 semaphore(%arg13 : memref<!tpu.dma_semaphore, #tpu.memory_space<semaphore_mem>>) src(%dma_wait3A_41 : memref<200x128xi32, #tpu.memory_space<hbm>>) dst(%arg9 : memref<200x128xi32, #tpu.memory_space<vmem>>)
        %ge3A = arith.constant 2 : i32
        %ge3A_42 = arith.cmpi sge, %add3A_34, %ge3A : i32
        %convert_element_type3A_43 = arith.extui %ge3A_42 : i1 to i32
        %cond3A_44 = arith.constant 0 : i32
        %cond3A_45 = arith.cmpi ne, %convert_element_type3A_43, %cond3A_44 : i32
        scf.if %cond3A_45 {
          %dma_wait3A_95 = arith.constant 0 : i32
          %dma_wait3A_96 = tpu.memref_slice %arg6[%dma_wait3A_95, %add3A_37] : memref<200x16384xf32, #tpu.memory_space<hbm>> -> memref<200x128xf32, #tpu.memory_space<hbm>>
          %dma_wait3A_97 = arith.constant 0 : i32
          %dma_wait3A_98 = tpu.memref_slice %arg6[%dma_wait3A_97, %add3A_37] : memref<200x16384xf32, #tpu.memory_space<hbm>> -> memref<200x128xf32, #tpu.memory_space<hbm>>
          tpu.wait_dma2 semaphore(%arg15 : memref<!tpu.dma_semaphore, #tpu.memory_space<semaphore_mem>>) src(%arg11 : memref<200x128xf32, #tpu.memory_space<vmem>>) dst(%dma_wait3A_98 : memref<200x128xf32, #tpu.memory_space<hbm>>)
        } else {
        }
        %scan3A_46 = arith.constant 0 : i32
        %scan3A_47 = arith.constant 0 : i32
        %scan3A_48 = arith.constant 200 : i32
        %scan3A_49 = arith.addi %scan3A_47, %scan3A_48 : i32
        %scan3A_50 = arith.constant 1 : i32
        scf.for %scan3A_95 = %scan3A_47 to %scan3A_49 step %scan3A_50  : i32 {
          %get3A = arith.index_cast %scan3A_95 : i32 to index
          %get3A_96 = arith.constant 0 : index
          %get3A_97 = tpu.vector_load %arg9[%get3A, %get3A_96] {strides = array<i32>} : memref<200x128xi32, #tpu.memory_space<vmem>>, vector<16xi32>,
          %get3A_98 = arith.index_cast %scan3A_95 : i32 to index
          %get3A_99 = arith.constant 16 : index
          %get3A_100 = tpu.vector_load %arg9[%get3A_98, %get3A_99] {strides = array<i32>} : memref<200x128xi32, #tpu.memory_space<vmem>>, vector<16xi32>,
          %get3A_101 = arith.index_cast %scan3A_95 : i32 to index
          %get3A_102 = arith.constant 32 : index
          %get3A_103 = tpu.vector_load %arg9[%get3A_101, %get3A_102] {strides = array<i32>} : memref<200x128xi32, #tpu.memory_space<vmem>>, vector<16xi32>,
          %get3A_104 = arith.index_cast %scan3A_95 : i32 to index
          %get3A_105 = arith.constant 48 : index
          %get3A_106 = tpu.vector_load %arg9[%get3A_104, %get3A_105] {strides = array<i32>} : memref<200x128xi32, #tpu.memory_space<vmem>>, vector<16xi32>,
          %get3A_107 = arith.index_cast %scan3A_95 : i32 to index
          %get3A_108 = arith.constant 64 : index
          %get3A_109 = tpu.vector_load %arg9[%get3A_107, %get3A_108] {strides = array<i32>} : memref<200x128xi32, #tpu.memory_space<vmem>>, vector<16xi32>,
          %get3A_110 = arith.index_cast %scan3A_95 : i32 to index
          %get3A_111 = arith.constant 80 : index
          %get3A_112 = tpu.vector_load %arg9[%get3A_110, %get3A_111] {strides = array<i32>} : memref<200x128xi32, #tpu.memory_space<vmem>>, vector<16xi32>,
          %get3A_113 = arith.index_cast %scan3A_95 : i32 to index
          %get3A_114 = arith.constant 96 : index
          %get3A_115 = tpu.vector_load %arg9[%get3A_113, %get3A_114] {strides = array<i32>} : memref<200x128xi32, #tpu.memory_space<vmem>>, vector<16xi32>,
          %get3A_116 = arith.index_cast %scan3A_95 : i32 to index
          %get3A_117 = arith.constant 112 : index
          %get3A_118 = tpu.vector_load %arg9[%get3A_116, %get3A_117] {strides = array<i32>} : memref<200x128xi32, #tpu.memory_space<vmem>>, vector<16xi32>,
          %gather3A = tpu.vector_load_idx %arg8[%get3A_97] : memref<20000xf32, #tpu.memory_space<vmem>>[vector<16xi32>], vector<16xf32>,
          %gather3A_119 = tpu.vector_load_idx %arg8[%get3A_100] : memref<20000xf32, #tpu.memory_space<vmem>>[vector<16xi32>], vector<16xf32>,
          %gather3A_120 = tpu.vector_load_idx %arg8[%get3A_103] : memref<20000xf32, #tpu.memory_space<vmem>>[vector<16xi32>], vector<16xf32>,
          %gather3A_121 = tpu.vector_load_idx %arg8[%get3A_106] : memref<20000xf32, #tpu.memory_space<vmem>>[vector<16xi32>], vector<16xf32>,
          %gather3A_122 = tpu.vector_load_idx %arg8[%get3A_109] : memref<20000xf32, #tpu.memory_space<vmem>>[vector<16xi32>], vector<16xf32>,
          %gather3A_123 = tpu.vector_load_idx %arg8[%get3A_112] : memref<20000xf32, #tpu.memory_space<vmem>>[vector<16xi32>], vector<16xf32>,
          %gather3A_124 = tpu.vector_load_idx %arg8[%get3A_115] : memref<20000xf32, #tpu.memory_space<vmem>>[vector<16xi32>], vector<16xf32>,
          %gather3A_125 = tpu.vector_load_idx %arg8[%get3A_118] : memref<20000xf32, #tpu.memory_space<vmem>>[vector<16xi32>], vector<16xf32>,
          %swap3A = arith.index_cast %scan3A_95 : i32 to index
          %swap3A_126 = arith.constant 0 : index
          %swap3A_127 = tpu.vector_load %arg11[%swap3A, %swap3A_126] {strides = array<i32>} : memref<200x128xf32, #tpu.memory_space<vmem>>, vector<16xf32>,
          tpu.vector_store %arg11[%swap3A, %swap3A_126], %gather3A {strides = array<i32>} : memref<200x128xf32, #tpu.memory_space<vmem>>, vector<16xf32>,
          %swap3A_128 = arith.index_cast %scan3A_95 : i32 to index
          %swap3A_129 = arith.constant 16 : index
          %swap3A_130 = tpu.vector_load %arg11[%swap3A_128, %swap3A_129] {strides = array<i32>} : memref<200x128xf32, #tpu.memory_space<vmem>>, vector<16xf32>,
          tpu.vector_store %arg11[%swap3A_128, %swap3A_129], %gather3A_119 {strides = array<i32>} : memref<200x128xf32, #tpu.memory_space<vmem>>, vector<16xf32>,
          %swap3A_131 = arith.index_cast %scan3A_95 : i32 to index
          %swap3A_132 = arith.constant 32 : index
          %swap3A_133 = tpu.vector_load %arg11[%swap3A_131, %swap3A_132] {strides = array<i32>} : memref<200x128xf32, #tpu.memory_space<vmem>>, vector<16xf32>,
          tpu.vector_store %arg11[%swap3A_131, %swap3A_132], %gather3A_120 {strides = array<i32>} : memref<200x128xf32, #tpu.memory_space<vmem>>, vector<16xf32>,
          %swap3A_134 = arith.index_cast %scan3A_95 : i32 to index
          %swap3A_135 = arith.constant 48 : index
          %swap3A_136 = tpu.vector_load %arg11[%swap3A_134, %swap3A_135] {strides = array<i32>} : memref<200x128xf32, #tpu.memory_space<vmem>>, vector<16xf32>,
          tpu.vector_store %arg11[%swap3A_134, %swap3A_135], %gather3A_121 {strides = array<i32>} : memref<200x128xf32, #tpu.memory_space<vmem>>, vector<16xf32>,
          %swap3A_137 = arith.index_cast %scan3A_95 : i32 to index
          %swap3A_138 = arith.constant 64 : index
          %swap3A_139 = tpu.vector_load %arg11[%swap3A_137, %swap3A_138] {strides = array<i32>} : memref<200x128xf32, #tpu.memory_space<vmem>>, vector<16xf32>,
          tpu.vector_store %arg11[%swap3A_137, %swap3A_138], %gather3A_122 {strides = array<i32>} : memref<200x128xf32, #tpu.memory_space<vmem>>, vector<16xf32>,
          %swap3A_140 = arith.index_cast %scan3A_95 : i32 to index
          %swap3A_141 = arith.constant 80 : index
          %swap3A_142 = tpu.vector_load %arg11[%swap3A_140, %swap3A_141] {strides = array<i32>} : memref<200x128xf32, #tpu.memory_space<vmem>>, vector<16xf32>,
          tpu.vector_store %arg11[%swap3A_140, %swap3A_141], %gather3A_123 {strides = array<i32>} : memref<200x128xf32, #tpu.memory_space<vmem>>, vector<16xf32>,
          %swap3A_143 = arith.index_cast %scan3A_95 : i32 to index
          %swap3A_144 = arith.constant 96 : index
          %swap3A_145 = tpu.vector_load %arg11[%swap3A_143, %swap3A_144] {strides = array<i32>} : memref<200x128xf32, #tpu.memory_space<vmem>>, vector<16xf32>,
          tpu.vector_store %arg11[%swap3A_143, %swap3A_144], %gather3A_124 {strides = array<i32>} : memref<200x128xf32, #tpu.memory_space<vmem>>, vector<16xf32>,
          %swap3A_146 = arith.index_cast %scan3A_95 : i32 to index
          %swap3A_147 = arith.constant 112 : index
          %swap3A_148 = tpu.vector_load %arg11[%swap3A_146, %swap3A_147] {strides = array<i32>} : memref<200x128xf32, #tpu.memory_space<vmem>>, vector<16xf32>,
          tpu.vector_store %arg11[%swap3A_146, %swap3A_147], %gather3A_125 {strides = array<i32>} : memref<200x128xf32, #tpu.memory_space<vmem>>, vector<16xf32>,
        }
        %scan3A_51 = arith.constant 200 : i32
        %dma_start3A_52 = arith.constant 0 : i32
        %dma_start3A_53 = tpu.memref_slice %arg6[%dma_start3A_52, %add3A_37] : memref<200x16384xf32, #tpu.memory_space<hbm>> -> memref<200x128xf32, #tpu.memory_space<hbm>>
        %dma_start3A_54 = arith.constant 0 : i32
        %dma_start3A_55 = tpu.memref_slice %arg6[%dma_start3A_54, %add3A_37] : memref<200x16384xf32, #tpu.memory_space<hbm>> -> memref<200x128xf32, #tpu.memory_space<hbm>>
        tpu.enqueue_dma source(%arg11 : memref<200x128xf32, #tpu.memory_space<vmem>>) target(%dma_start3A_55 : memref<200x128xf32, #tpu.memory_space<hbm>>) target_semaphore(%arg15 : memref<!tpu.dma_semaphore, #tpu.memory_space<semaphore_mem>>)
        %add3A_56 = arith.constant 2 : i32
        %add3A_57 = arith.addi %add3A_34, %add3A_56 : i32
        %lt3A = arith.constant 8 : i32
        %lt3A_58 = arith.cmpi slt, %add3A_57, %lt3A : i32
        %convert_element_type3A_59 = arith.extui %lt3A_58 : i1 to i32
        %cond3A_60 = arith.constant 0 : i32
        %cond3A_61 = arith.cmpi ne, %convert_element_type3A_59, %cond3A_60 : i32
        scf.if %cond3A_61 {
          %add3A_95 = arith.constant 256 : i32
          %add3A_96 = arith.addi %add3A_37, %add3A_95 : i32
          %dma_start3A_97 = arith.constant 0 : i32
          %dma_start3A_98 = tpu.memref_slice %arg2[%dma_start3A_97, %add3A_96] : memref<200x16384xi32, #tpu.memory_space<hbm>> -> memref<200x128xi32, #tpu.memory_space<hbm>>
          %dma_start3A_99 = arith.constant 0 : i32
          %dma_start3A_100 = tpu.memref_slice %arg2[%dma_start3A_99, %add3A_96] : memref<200x16384xi32, #tpu.memory_space<hbm>> -> memref<200x128xi32, #tpu.memory_space<hbm>>
          tpu.enqueue_dma source(%dma_start3A_100 : memref<200x128xi32, #tpu.memory_space<hbm>>) target(%arg9 : memref<200x128xi32, #tpu.memory_space<vmem>>) target_semaphore(%arg13 : memref<!tpu.dma_semaphore, #tpu.memory_space<semaphore_mem>>)
        } else {
        }
        %mul3A_62 = arith.constant 2 : i32
        %mul3A_63 = arith.muli %scan3A_30, %mul3A_62 : i32
        %add3A_64 = arith.constant 1 : i32
        %add3A_65 = arith.addi %mul3A_63, %add3A_64 : i32
        %mul3A_66 = arith.constant 128 : i32
        %mul3A_67 = arith.muli %add3A_65, %mul3A_66 : i32
        %add3A_68 = arith.addi %mul3A_7, %mul3A_67 : i32
        %dma_wait3A_69 = arith.constant 0 : i32
        %dma_wait3A_70 = tpu.memref_slice %arg2[%dma_wait3A_69, %add3A_68] : memref<200x16384xi32, #tpu.memory_space<hbm>> -> memref<200x128xi32, #tpu.memory_space<hbm>>
        %dma_wait3A_71 = arith.constant 0 : i32
        %dma_wait3A_72 = tpu.memref_slice %arg2[%dma_wait3A_71, %add3A_68] : memref<200x16384xi32, #tpu.memory_space<hbm>> -> memref<200x128xi32, #tpu.memory_space<hbm>>
        tpu.wait_dma2 semaphore(%arg14 : memref<!tpu.dma_semaphore, #tpu.memory_space<semaphore_mem>>) src(%dma_wait3A_72 : memref<200x128xi32, #tpu.memory_space<hbm>>) dst(%arg10 : memref<200x128xi32, #tpu.memory_space<vmem>>)
        %ge3A_73 = arith.constant 2 : i32
        %ge3A_74 = arith.cmpi sge, %add3A_65, %ge3A_73 : i32
        %convert_element_type3A_75 = arith.extui %ge3A_74 : i1 to i32
        %cond3A_76 = arith.constant 0 : i32
        %cond3A_77 = arith.cmpi ne, %convert_element_type3A_75, %cond3A_76 : i32
        scf.if %cond3A_77 {
          %dma_wait3A_95 = arith.constant 0 : i32
          %dma_wait3A_96 = tpu.memref_slice %arg6[%dma_wait3A_95, %add3A_68] : memref<200x16384xf32, #tpu.memory_space<hbm>> -> memref<200x128xf32, #tpu.memory_space<hbm>>
          %dma_wait3A_97 = arith.constant 0 : i32
          %dma_wait3A_98 = tpu.memref_slice %arg6[%dma_wait3A_97, %add3A_68] : memref<200x16384xf32, #tpu.memory_space<hbm>> -> memref<200x128xf32, #tpu.memory_space<hbm>>
          tpu.wait_dma2 semaphore(%arg16 : memref<!tpu.dma_semaphore, #tpu.memory_space<semaphore_mem>>) src(%arg12 : memref<200x128xf32, #tpu.memory_space<vmem>>) dst(%dma_wait3A_98 : memref<200x128xf32, #tpu.memory_space<hbm>>)
        } else {
        }
        %scan3A_78 = arith.constant 0 : i32
        %scan3A_79 = arith.constant 0 : i32
        %scan3A_80 = arith.constant 200 : i32
        %scan3A_81 = arith.addi %scan3A_79, %scan3A_80 : i32
        %scan3A_82 = arith.constant 1 : i32
        scf.for %scan3A_95 = %scan3A_79 to %scan3A_81 step %scan3A_82  : i32 {
          %get3A = arith.index_cast %scan3A_95 : i32 to index
          %get3A_96 = arith.constant 0 : index
          %get3A_97 = tpu.vector_load %arg10[%get3A, %get3A_96] {strides = array<i32>} : memref<200x128xi32, #tpu.memory_space<vmem>>, vector<16xi32>,
          %get3A_98 = arith.index_cast %scan3A_95 : i32 to index
          %get3A_99 = arith.constant 16 : index
          %get3A_100 = tpu.vector_load %arg10[%get3A_98, %get3A_99] {strides = array<i32>} : memref<200x128xi32, #tpu.memory_space<vmem>>, vector<16xi32>,
          %get3A_101 = arith.index_cast %scan3A_95 : i32 to index
          %get3A_102 = arith.constant 32 : index
          %get3A_103 = tpu.vector_load %arg10[%get3A_101, %get3A_102] {strides = array<i32>} : memref<200x128xi32, #tpu.memory_space<vmem>>, vector<16xi32>,
          %get3A_104 = arith.index_cast %scan3A_95 : i32 to index
          %get3A_105 = arith.constant 48 : index
          %get3A_106 = tpu.vector_load %arg10[%get3A_104, %get3A_105] {strides = array<i32>} : memref<200x128xi32, #tpu.memory_space<vmem>>, vector<16xi32>,
          %get3A_107 = arith.index_cast %scan3A_95 : i32 to index
          %get3A_108 = arith.constant 64 : index
          %get3A_109 = tpu.vector_load %arg10[%get3A_107, %get3A_108] {strides = array<i32>} : memref<200x128xi32, #tpu.memory_space<vmem>>, vector<16xi32>,
          %get3A_110 = arith.index_cast %scan3A_95 : i32 to index
          %get3A_111 = arith.constant 80 : index
          %get3A_112 = tpu.vector_load %arg10[%get3A_110, %get3A_111] {strides = array<i32>} : memref<200x128xi32, #tpu.memory_space<vmem>>, vector<16xi32>,
          %get3A_113 = arith.index_cast %scan3A_95 : i32 to index
          %get3A_114 = arith.constant 96 : index
          %get3A_115 = tpu.vector_load %arg10[%get3A_113, %get3A_114] {strides = array<i32>} : memref<200x128xi32, #tpu.memory_space<vmem>>, vector<16xi32>,
          %get3A_116 = arith.index_cast %scan3A_95 : i32 to index
          %get3A_117 = arith.constant 112 : index
          %get3A_118 = tpu.vector_load %arg10[%get3A_116, %get3A_117] {strides = array<i32>} : memref<200x128xi32, #tpu.memory_space<vmem>>, vector<16xi32>,
          %gather3A = tpu.vector_load_idx %arg8[%get3A_97] : memref<20000xf32, #tpu.memory_space<vmem>>[vector<16xi32>], vector<16xf32>,
          %gather3A_119 = tpu.vector_load_idx %arg8[%get3A_100] : memref<20000xf32, #tpu.memory_space<vmem>>[vector<16xi32>], vector<16xf32>,
          %gather3A_120 = tpu.vector_load_idx %arg8[%get3A_103] : memref<20000xf32, #tpu.memory_space<vmem>>[vector<16xi32>], vector<16xf32>,
          %gather3A_121 = tpu.vector_load_idx %arg8[%get3A_106] : memref<20000xf32, #tpu.memory_space<vmem>>[vector<16xi32>], vector<16xf32>,
          %gather3A_122 = tpu.vector_load_idx %arg8[%get3A_109] : memref<20000xf32, #tpu.memory_space<vmem>>[vector<16xi32>], vector<16xf32>,
          %gather3A_123 = tpu.vector_load_idx %arg8[%get3A_112] : memref<20000xf32, #tpu.memory_space<vmem>>[vector<16xi32>], vector<16xf32>,
          %gather3A_124 = tpu.vector_load_idx %arg8[%get3A_115] : memref<20000xf32, #tpu.memory_space<vmem>>[vector<16xi32>], vector<16xf32>,
          %gather3A_125 = tpu.vector_load_idx %arg8[%get3A_118] : memref<20000xf32, #tpu.memory_space<vmem>>[vector<16xi32>], vector<16xf32>,
          %swap3A = arith.index_cast %scan3A_95 : i32 to index
          %swap3A_126 = arith.constant 0 : index
          %swap3A_127 = tpu.vector_load %arg12[%swap3A, %swap3A_126] {strides = array<i32>} : memref<200x128xf32, #tpu.memory_space<vmem>>, vector<16xf32>,
          tpu.vector_store %arg12[%swap3A, %swap3A_126], %gather3A {strides = array<i32>} : memref<200x128xf32, #tpu.memory_space<vmem>>, vector<16xf32>,
          %swap3A_128 = arith.index_cast %scan3A_95 : i32 to index
          %swap3A_129 = arith.constant 16 : index
          %swap3A_130 = tpu.vector_load %arg12[%swap3A_128, %swap3A_129] {strides = array<i32>} : memref<200x128xf32, #tpu.memory_space<vmem>>, vector<16xf32>,
          tpu.vector_store %arg12[%swap3A_128, %swap3A_129], %gather3A_119 {strides = array<i32>} : memref<200x128xf32, #tpu.memory_space<vmem>>, vector<16xf32>,
          %swap3A_131 = arith.index_cast %scan3A_95 : i32 to index
          %swap3A_132 = arith.constant 32 : index
          %swap3A_133 = tpu.vector_load %arg12[%swap3A_131, %swap3A_132] {strides = array<i32>} : memref<200x128xf32, #tpu.memory_space<vmem>>, vector<16xf32>,
          tpu.vector_store %arg12[%swap3A_131, %swap3A_132], %gather3A_120 {strides = array<i32>} : memref<200x128xf32, #tpu.memory_space<vmem>>, vector<16xf32>,
          %swap3A_134 = arith.index_cast %scan3A_95 : i32 to index
          %swap3A_135 = arith.constant 48 : index
          %swap3A_136 = tpu.vector_load %arg12[%swap3A_134, %swap3A_135] {strides = array<i32>} : memref<200x128xf32, #tpu.memory_space<vmem>>, vector<16xf32>,
          tpu.vector_store %arg12[%swap3A_134, %swap3A_135], %gather3A_121 {strides = array<i32>} : memref<200x128xf32, #tpu.memory_space<vmem>>, vector<16xf32>,
          %swap3A_137 = arith.index_cast %scan3A_95 : i32 to index
          %swap3A_138 = arith.constant 64 : index
          %swap3A_139 = tpu.vector_load %arg12[%swap3A_137, %swap3A_138] {strides = array<i32>} : memref<200x128xf32, #tpu.memory_space<vmem>>, vector<16xf32>,
          tpu.vector_store %arg12[%swap3A_137, %swap3A_138], %gather3A_122 {strides = array<i32>} : memref<200x128xf32, #tpu.memory_space<vmem>>, vector<16xf32>,
          %swap3A_140 = arith.index_cast %scan3A_95 : i32 to index
          %swap3A_141 = arith.constant 80 : index
          %swap3A_142 = tpu.vector_load %arg12[%swap3A_140, %swap3A_141] {strides = array<i32>} : memref<200x128xf32, #tpu.memory_space<vmem>>, vector<16xf32>,
          tpu.vector_store %arg12[%swap3A_140, %swap3A_141], %gather3A_123 {strides = array<i32>} : memref<200x128xf32, #tpu.memory_space<vmem>>, vector<16xf32>,
          %swap3A_143 = arith.index_cast %scan3A_95 : i32 to index
          %swap3A_144 = arith.constant 96 : index
          %swap3A_145 = tpu.vector_load %arg12[%swap3A_143, %swap3A_144] {strides = array<i32>} : memref<200x128xf32, #tpu.memory_space<vmem>>, vector<16xf32>,
          tpu.vector_store %arg12[%swap3A_143, %swap3A_144], %gather3A_124 {strides = array<i32>} : memref<200x128xf32, #tpu.memory_space<vmem>>, vector<16xf32>,
          %swap3A_146 = arith.index_cast %scan3A_95 : i32 to index
          %swap3A_147 = arith.constant 112 : index
          %swap3A_148 = tpu.vector_load %arg12[%swap3A_146, %swap3A_147] {strides = array<i32>} : memref<200x128xf32, #tpu.memory_space<vmem>>, vector<16xf32>,
          tpu.vector_store %arg12[%swap3A_146, %swap3A_147], %gather3A_125 {strides = array<i32>} : memref<200x128xf32, #tpu.memory_space<vmem>>, vector<16xf32>,
        }
        %scan3A_83 = arith.constant 200 : i32
        %dma_start3A_84 = arith.constant 0 : i32
        %dma_start3A_85 = tpu.memref_slice %arg6[%dma_start3A_84, %add3A_68] : memref<200x16384xf32, #tpu.memory_space<hbm>> -> memref<200x128xf32, #tpu.memory_space<hbm>>
        %dma_start3A_86 = arith.constant 0 : i32
        %dma_start3A_87 = tpu.memref_slice %arg6[%dma_start3A_86, %add3A_68] : memref<200x16384xf32, #tpu.memory_space<hbm>> -> memref<200x128xf32, #tpu.memory_space<hbm>>
        tpu.enqueue_dma source(%arg12 : memref<200x128xf32, #tpu.memory_space<vmem>>) target(%dma_start3A_87 : memref<200x128xf32, #tpu.memory_space<hbm>>) target_semaphore(%arg16 : memref<!tpu.dma_semaphore, #tpu.memory_space<semaphore_mem>>)
        %add3A_88 = arith.constant 2 : i32
        %add3A_89 = arith.addi %add3A_65, %add3A_88 : i32
        %lt3A_90 = arith.constant 8 : i32
        %lt3A_91 = arith.cmpi slt, %add3A_89, %lt3A_90 : i32
        %convert_element_type3A_92 = arith.extui %lt3A_91 : i1 to i32
        %cond3A_93 = arith.constant 0 : i32
        %cond3A_94 = arith.cmpi ne, %convert_element_type3A_92, %cond3A_93 : i32
        scf.if %cond3A_94 {
          %add3A_95 = arith.constant 256 : i32
          %add3A_96 = arith.addi %add3A_68, %add3A_95 : i32
          %dma_start3A_97 = arith.constant 0 : i32
          %dma_start3A_98 = tpu.memref_slice %arg2[%dma_start3A_97, %add3A_96] : memref<200x16384xi32, #tpu.memory_space<hbm>> -> memref<200x128xi32, #tpu.memory_space<hbm>>
          %dma_start3A_99 = arith.constant 0 : i32
          %dma_start3A_100 = tpu.memref_slice %arg2[%dma_start3A_99, %add3A_96] : memref<200x16384xi32, #tpu.memory_space<hbm>> -> memref<200x128xi32, #tpu.memory_space<hbm>>
          tpu.enqueue_dma source(%dma_start3A_100 : memref<200x128xi32, #tpu.memory_space<hbm>>) target(%arg10 : memref<200x128xi32, #tpu.memory_space<vmem>>) target_semaphore(%arg14 : memref<!tpu.dma_semaphore, #tpu.memory_space<semaphore_mem>>)
        } else {
        }
      }
      %scan3A_22 = arith.constant 4 : i32
      %dma_wait3A = arith.constant 0 : i32
      %dma_wait3A_23 = tpu.memref_slice %arg6[%dma_wait3A, %mul3A_7] : memref<200x16384xf32, #tpu.memory_space<hbm>> -> memref<200x128xf32, #tpu.memory_space<hbm>>
      %dma_wait3A_24 = arith.constant 0 : i32
      %dma_wait3A_25 = tpu.memref_slice %arg6[%dma_wait3A_24, %mul3A_7] : memref<200x16384xf32, #tpu.memory_space<hbm>> -> memref<200x128xf32, #tpu.memory_space<hbm>>
      tpu.wait_dma2 semaphore(%arg15 : memref<!tpu.dma_semaphore, #tpu.memory_space<semaphore_mem>>) src(%arg11 : memref<200x128xf32, #tpu.memory_space<vmem>>) dst(%dma_wait3A_25 : memref<200x128xf32, #tpu.memory_space<hbm>>)
      %dma_wait3A_26 = arith.constant 0 : i32
      %dma_wait3A_27 = tpu.memref_slice %arg6[%dma_wait3A_26, %mul3A_7] : memref<200x16384xf32, #tpu.memory_space<hbm>> -> memref<200x128xf32, #tpu.memory_space<hbm>>
      %dma_wait3A_28 = arith.constant 0 : i32
      %dma_wait3A_29 = tpu.memref_slice %arg6[%dma_wait3A_28, %mul3A_7] : memref<200x16384xf32, #tpu.memory_space<hbm>> -> memref<200x128xf32, #tpu.memory_space<hbm>>
      tpu.wait_dma2 semaphore(%arg16 : memref<!tpu.dma_semaphore, #tpu.memory_space<semaphore_mem>>) src(%arg12 : memref<200x128xf32, #tpu.memory_space<vmem>>) dst(%dma_wait3A_29 : memref<200x128xf32, #tpu.memory_space<hbm>>)
    } else {
    }
    %eq3A_2 = arith.constant 1 : i32
    %eq3A_3 = arith.cmpi eq, %arg0, %eq3A_2 : i32
    %convert_element_type3A_4 = arith.extui %eq3A_3 : i1 to i32
    %cond3A_5 = arith.constant 0 : i32
    %cond3A_6 = arith.cmpi ne, %convert_element_type3A_4, %cond3A_5 : i32
    scf.if %cond3A_6 {
      %mul3A = arith.constant 1024 : i32
      %mul3A_7 = arith.muli %arg1, %mul3A : i32
      %add3A = arith.constant 0 : i32
      %add3A_8 = arith.addi %mul3A_7, %add3A : i32
      %dma_start3A = arith.constant 0 : i32
      %dma_start3A_9 = tpu.memref_slice %arg3[%dma_start3A, %add3A_8] : memref<200x16384xi32, #tpu.memory_space<hbm>> -> memref<200x128xi32, #tpu.memory_space<hbm>>
      %dma_start3A_10 = arith.constant 0 : i32
      %dma_start3A_11 = tpu.memref_slice %arg3[%dma_start3A_10, %add3A_8] : memref<200x16384xi32, #tpu.memory_space<hbm>> -> memref<200x128xi32, #tpu.memory_space<hbm>>
      tpu.enqueue_dma source(%dma_start3A_11 : memref<200x128xi32, #tpu.memory_space<hbm>>) target(%arg9 : memref<200x128xi32, #tpu.memory_space<vmem>>) target_semaphore(%arg13 : memref<!tpu.dma_semaphore, #tpu.memory_space<semaphore_mem>>)
      %add3A_12 = arith.constant 128 : i32
      %add3A_13 = arith.addi %mul3A_7, %add3A_12 : i32
      %dma_start3A_14 = arith.constant 0 : i32
      %dma_start3A_15 = tpu.memref_slice %arg3[%dma_start3A_14, %add3A_13] : memref<200x16384xi32, #tpu.memory_space<hbm>> -> memref<200x128xi32, #tpu.memory_space<hbm>>
      %dma_start3A_16 = arith.constant 0 : i32
      %dma_start3A_17 = tpu.memref_slice %arg3[%dma_start3A_16, %add3A_13] : memref<200x16384xi32, #tpu.memory_space<hbm>> -> memref<200x128xi32, #tpu.memory_space<hbm>>
      tpu.enqueue_dma source(%dma_start3A_17 : memref<200x128xi32, #tpu.memory_space<hbm>>) target(%arg10 : memref<200x128xi32, #tpu.memory_space<vmem>>) target_semaphore(%arg14 : memref<!tpu.dma_semaphore, #tpu.memory_space<semaphore_mem>>)
      "tpu.region"() ({
        %run_scoped3A = tpu.sem_alloc : memref<!tpu.dma_semaphore, #tpu.memory_space<semaphore_mem>>
        tpu.enqueue_dma source(%arg5 : memref<20000xf32, #tpu.memory_space<hbm>>) target(%arg8 : memref<20000xf32, #tpu.memory_space<vmem>>) target_semaphore(%run_scoped3A : memref<!tpu.dma_semaphore, #tpu.memory_space<semaphore_mem>>)
        tpu.wait_dma2 semaphore(%run_scoped3A : memref<!tpu.dma_semaphore, #tpu.memory_space<semaphore_mem>>) src(%arg5 : memref<20000xf32, #tpu.memory_space<hbm>>) dst(%arg8 : memref<20000xf32, #tpu.memory_space<vmem>>)
        tpu.yield
      }) : () -> ()
      %scan3A = arith.constant 0 : i32
      %scan3A_18 = arith.constant 0 : i32
      %scan3A_19 = arith.constant 4 : i32
      %scan3A_20 = arith.addi %scan3A_18, %scan3A_19 : i32
      %scan3A_21 = arith.constant 1 : i32
      scf.for %scan3A_30 = %scan3A_18 to %scan3A_20 step %scan3A_21  : i32 {
        %mul3A_31 = arith.constant 2 : i32
        %mul3A_32 = arith.muli %scan3A_30, %mul3A_31 : i32
        %add3A_33 = arith.constant 0 : i32
        %add3A_34 = arith.addi %mul3A_32, %add3A_33 : i32
        %mul3A_35 = arith.constant 128 : i32
        %mul3A_36 = arith.muli %add3A_34, %mul3A_35 : i32
        %add3A_37 = arith.addi %mul3A_7, %mul3A_36 : i32
        %dma_wait3A_38 = arith.constant 0 : i32
        %dma_wait3A_39 = tpu.memref_slice %arg3[%dma_wait3A_38, %add3A_37] : memref<200x16384xi32, #tpu.memory_space<hbm>> -> memref<200x128xi32, #tpu.memory_space<hbm>>
        %dma_wait3A_40 = arith.constant 0 : i32
        %dma_wait3A_41 = tpu.memref_slice %arg3[%dma_wait3A_40, %add3A_37] : memref<200x16384xi32, #tpu.memory_space<hbm>> -> memref<200x128xi32, #tpu.memory_space<hbm>>
        tpu.wait_dma2 semaphore(%arg13 : memref<!tpu.dma_semaphore, #tpu.memory_space<semaphore_mem>>) src(%dma_wait3A_41 : memref<200x128xi32, #tpu.memory_space<hbm>>) dst(%arg9 : memref<200x128xi32, #tpu.memory_space<vmem>>)
        %ge3A = arith.constant 2 : i32
        %ge3A_42 = arith.cmpi sge, %add3A_34, %ge3A : i32
        %convert_element_type3A_43 = arith.extui %ge3A_42 : i1 to i32
        %cond3A_44 = arith.constant 0 : i32
        %cond3A_45 = arith.cmpi ne, %convert_element_type3A_43, %cond3A_44 : i32
        scf.if %cond3A_45 {
          %dma_wait3A_95 = arith.constant 0 : i32
          %dma_wait3A_96 = tpu.memref_slice %arg7[%dma_wait3A_95, %add3A_37] : memref<200x16384xf32, #tpu.memory_space<hbm>> -> memref<200x128xf32, #tpu.memory_space<hbm>>
          %dma_wait3A_97 = arith.constant 0 : i32
          %dma_wait3A_98 = tpu.memref_slice %arg7[%dma_wait3A_97, %add3A_37] : memref<200x16384xf32, #tpu.memory_space<hbm>> -> memref<200x128xf32, #tpu.memory_space<hbm>>
          tpu.wait_dma2 semaphore(%arg15 : memref<!tpu.dma_semaphore, #tpu.memory_space<semaphore_mem>>) src(%arg11 : memref<200x128xf32, #tpu.memory_space<vmem>>) dst(%dma_wait3A_98 : memref<200x128xf32, #tpu.memory_space<hbm>>)
        } else {
        }
        %scan3A_46 = arith.constant 0 : i32
        %scan3A_47 = arith.constant 0 : i32
        %scan3A_48 = arith.constant 200 : i32
        %scan3A_49 = arith.addi %scan3A_47, %scan3A_48 : i32
        %scan3A_50 = arith.constant 1 : i32
        scf.for %scan3A_95 = %scan3A_47 to %scan3A_49 step %scan3A_50  : i32 {
          %get3A = arith.index_cast %scan3A_95 : i32 to index
          %get3A_96 = arith.constant 0 : index
          %get3A_97 = tpu.vector_load %arg9[%get3A, %get3A_96] {strides = array<i32>} : memref<200x128xi32, #tpu.memory_space<vmem>>, vector<16xi32>,
          %get3A_98 = arith.index_cast %scan3A_95 : i32 to index
          %get3A_99 = arith.constant 16 : index
          %get3A_100 = tpu.vector_load %arg9[%get3A_98, %get3A_99] {strides = array<i32>} : memref<200x128xi32, #tpu.memory_space<vmem>>, vector<16xi32>,
          %get3A_101 = arith.index_cast %scan3A_95 : i32 to index
          %get3A_102 = arith.constant 32 : index
          %get3A_103 = tpu.vector_load %arg9[%get3A_101, %get3A_102] {strides = array<i32>} : memref<200x128xi32, #tpu.memory_space<vmem>>, vector<16xi32>,
          %get3A_104 = arith.index_cast %scan3A_95 : i32 to index
          %get3A_105 = arith.constant 48 : index
          %get3A_106 = tpu.vector_load %arg9[%get3A_104, %get3A_105] {strides = array<i32>} : memref<200x128xi32, #tpu.memory_space<vmem>>, vector<16xi32>,
          %get3A_107 = arith.index_cast %scan3A_95 : i32 to index
          %get3A_108 = arith.constant 64 : index
          %get3A_109 = tpu.vector_load %arg9[%get3A_107, %get3A_108] {strides = array<i32>} : memref<200x128xi32, #tpu.memory_space<vmem>>, vector<16xi32>,
          %get3A_110 = arith.index_cast %scan3A_95 : i32 to index
          %get3A_111 = arith.constant 80 : index
          %get3A_112 = tpu.vector_load %arg9[%get3A_110, %get3A_111] {strides = array<i32>} : memref<200x128xi32, #tpu.memory_space<vmem>>, vector<16xi32>,
          %get3A_113 = arith.index_cast %scan3A_95 : i32 to index
          %get3A_114 = arith.constant 96 : index
          %get3A_115 = tpu.vector_load %arg9[%get3A_113, %get3A_114] {strides = array<i32>} : memref<200x128xi32, #tpu.memory_space<vmem>>, vector<16xi32>,
          %get3A_116 = arith.index_cast %scan3A_95 : i32 to index
          %get3A_117 = arith.constant 112 : index
          %get3A_118 = tpu.vector_load %arg9[%get3A_116, %get3A_117] {strides = array<i32>} : memref<200x128xi32, #tpu.memory_space<vmem>>, vector<16xi32>,
          %gather3A = tpu.vector_load_idx %arg8[%get3A_97] : memref<20000xf32, #tpu.memory_space<vmem>>[vector<16xi32>], vector<16xf32>,
          %gather3A_119 = tpu.vector_load_idx %arg8[%get3A_100] : memref<20000xf32, #tpu.memory_space<vmem>>[vector<16xi32>], vector<16xf32>,
          %gather3A_120 = tpu.vector_load_idx %arg8[%get3A_103] : memref<20000xf32, #tpu.memory_space<vmem>>[vector<16xi32>], vector<16xf32>,
          %gather3A_121 = tpu.vector_load_idx %arg8[%get3A_106] : memref<20000xf32, #tpu.memory_space<vmem>>[vector<16xi32>], vector<16xf32>,
          %gather3A_122 = tpu.vector_load_idx %arg8[%get3A_109] : memref<20000xf32, #tpu.memory_space<vmem>>[vector<16xi32>], vector<16xf32>,
          %gather3A_123 = tpu.vector_load_idx %arg8[%get3A_112] : memref<20000xf32, #tpu.memory_space<vmem>>[vector<16xi32>], vector<16xf32>,
          %gather3A_124 = tpu.vector_load_idx %arg8[%get3A_115] : memref<20000xf32, #tpu.memory_space<vmem>>[vector<16xi32>], vector<16xf32>,
          %gather3A_125 = tpu.vector_load_idx %arg8[%get3A_118] : memref<20000xf32, #tpu.memory_space<vmem>>[vector<16xi32>], vector<16xf32>,
          %swap3A = arith.index_cast %scan3A_95 : i32 to index
          %swap3A_126 = arith.constant 0 : index
          %swap3A_127 = tpu.vector_load %arg11[%swap3A, %swap3A_126] {strides = array<i32>} : memref<200x128xf32, #tpu.memory_space<vmem>>, vector<16xf32>,
          tpu.vector_store %arg11[%swap3A, %swap3A_126], %gather3A {strides = array<i32>} : memref<200x128xf32, #tpu.memory_space<vmem>>, vector<16xf32>,
          %swap3A_128 = arith.index_cast %scan3A_95 : i32 to index
          %swap3A_129 = arith.constant 16 : index
          %swap3A_130 = tpu.vector_load %arg11[%swap3A_128, %swap3A_129] {strides = array<i32>} : memref<200x128xf32, #tpu.memory_space<vmem>>, vector<16xf32>,
          tpu.vector_store %arg11[%swap3A_128, %swap3A_129], %gather3A_119 {strides = array<i32>} : memref<200x128xf32, #tpu.memory_space<vmem>>, vector<16xf32>,
          %swap3A_131 = arith.index_cast %scan3A_95 : i32 to index
          %swap3A_132 = arith.constant 32 : index
          %swap3A_133 = tpu.vector_load %arg11[%swap3A_131, %swap3A_132] {strides = array<i32>} : memref<200x128xf32, #tpu.memory_space<vmem>>, vector<16xf32>,
          tpu.vector_store %arg11[%swap3A_131, %swap3A_132], %gather3A_120 {strides = array<i32>} : memref<200x128xf32, #tpu.memory_space<vmem>>, vector<16xf32>,
          %swap3A_134 = arith.index_cast %scan3A_95 : i32 to index
          %swap3A_135 = arith.constant 48 : index
          %swap3A_136 = tpu.vector_load %arg11[%swap3A_134, %swap3A_135] {strides = array<i32>} : memref<200x128xf32, #tpu.memory_space<vmem>>, vector<16xf32>,
          tpu.vector_store %arg11[%swap3A_134, %swap3A_135], %gather3A_121 {strides = array<i32>} : memref<200x128xf32, #tpu.memory_space<vmem>>, vector<16xf32>,
          %swap3A_137 = arith.index_cast %scan3A_95 : i32 to index
          %swap3A_138 = arith.constant 64 : index
          %swap3A_139 = tpu.vector_load %arg11[%swap3A_137, %swap3A_138] {strides = array<i32>} : memref<200x128xf32, #tpu.memory_space<vmem>>, vector<16xf32>,
          tpu.vector_store %arg11[%swap3A_137, %swap3A_138], %gather3A_122 {strides = array<i32>} : memref<200x128xf32, #tpu.memory_space<vmem>>, vector<16xf32>,
          %swap3A_140 = arith.index_cast %scan3A_95 : i32 to index
          %swap3A_141 = arith.constant 80 : index
          %swap3A_142 = tpu.vector_load %arg11[%swap3A_140, %swap3A_141] {strides = array<i32>} : memref<200x128xf32, #tpu.memory_space<vmem>>, vector<16xf32>,
          tpu.vector_store %arg11[%swap3A_140, %swap3A_141], %gather3A_123 {strides = array<i32>} : memref<200x128xf32, #tpu.memory_space<vmem>>, vector<16xf32>,
          %swap3A_143 = arith.index_cast %scan3A_95 : i32 to index
          %swap3A_144 = arith.constant 96 : index
          %swap3A_145 = tpu.vector_load %arg11[%swap3A_143, %swap3A_144] {strides = array<i32>} : memref<200x128xf32, #tpu.memory_space<vmem>>, vector<16xf32>,
          tpu.vector_store %arg11[%swap3A_143, %swap3A_144], %gather3A_124 {strides = array<i32>} : memref<200x128xf32, #tpu.memory_space<vmem>>, vector<16xf32>,
          %swap3A_146 = arith.index_cast %scan3A_95 : i32 to index
          %swap3A_147 = arith.constant 112 : index
          %swap3A_148 = tpu.vector_load %arg11[%swap3A_146, %swap3A_147] {strides = array<i32>} : memref<200x128xf32, #tpu.memory_space<vmem>>, vector<16xf32>,
          tpu.vector_store %arg11[%swap3A_146, %swap3A_147], %gather3A_125 {strides = array<i32>} : memref<200x128xf32, #tpu.memory_space<vmem>>, vector<16xf32>,
        }
        %scan3A_51 = arith.constant 200 : i32
        %dma_start3A_52 = arith.constant 0 : i32
        %dma_start3A_53 = tpu.memref_slice %arg7[%dma_start3A_52, %add3A_37] : memref<200x16384xf32, #tpu.memory_space<hbm>> -> memref<200x128xf32, #tpu.memory_space<hbm>>
        %dma_start3A_54 = arith.constant 0 : i32
        %dma_start3A_55 = tpu.memref_slice %arg7[%dma_start3A_54, %add3A_37] : memref<200x16384xf32, #tpu.memory_space<hbm>> -> memref<200x128xf32, #tpu.memory_space<hbm>>
        tpu.enqueue_dma source(%arg11 : memref<200x128xf32, #tpu.memory_space<vmem>>) target(%dma_start3A_55 : memref<200x128xf32, #tpu.memory_space<hbm>>) target_semaphore(%arg15 : memref<!tpu.dma_semaphore, #tpu.memory_space<semaphore_mem>>)
        %add3A_56 = arith.constant 2 : i32
        %add3A_57 = arith.addi %add3A_34, %add3A_56 : i32
        %lt3A = arith.constant 8 : i32
        %lt3A_58 = arith.cmpi slt, %add3A_57, %lt3A : i32
        %convert_element_type3A_59 = arith.extui %lt3A_58 : i1 to i32
        %cond3A_60 = arith.constant 0 : i32
        %cond3A_61 = arith.cmpi ne, %convert_element_type3A_59, %cond3A_60 : i32
        scf.if %cond3A_61 {
          %add3A_95 = arith.constant 256 : i32
          %add3A_96 = arith.addi %add3A_37, %add3A_95 : i32
          %dma_start3A_97 = arith.constant 0 : i32
          %dma_start3A_98 = tpu.memref_slice %arg3[%dma_start3A_97, %add3A_96] : memref<200x16384xi32, #tpu.memory_space<hbm>> -> memref<200x128xi32, #tpu.memory_space<hbm>>
          %dma_start3A_99 = arith.constant 0 : i32
          %dma_start3A_100 = tpu.memref_slice %arg3[%dma_start3A_99, %add3A_96] : memref<200x16384xi32, #tpu.memory_space<hbm>> -> memref<200x128xi32, #tpu.memory_space<hbm>>
          tpu.enqueue_dma source(%dma_start3A_100 : memref<200x128xi32, #tpu.memory_space<hbm>>) target(%arg9 : memref<200x128xi32, #tpu.memory_space<vmem>>) target_semaphore(%arg13 : memref<!tpu.dma_semaphore, #tpu.memory_space<semaphore_mem>>)
        } else {
        }
        %mul3A_62 = arith.constant 2 : i32
        %mul3A_63 = arith.muli %scan3A_30, %mul3A_62 : i32
        %add3A_64 = arith.constant 1 : i32
        %add3A_65 = arith.addi %mul3A_63, %add3A_64 : i32
        %mul3A_66 = arith.constant 128 : i32
        %mul3A_67 = arith.muli %add3A_65, %mul3A_66 : i32
        %add3A_68 = arith.addi %mul3A_7, %mul3A_67 : i32
        %dma_wait3A_69 = arith.constant 0 : i32
        %dma_wait3A_70 = tpu.memref_slice %arg3[%dma_wait3A_69, %add3A_68] : memref<200x16384xi32, #tpu.memory_space<hbm>> -> memref<200x128xi32, #tpu.memory_space<hbm>>
        %dma_wait3A_71 = arith.constant 0 : i32
        %dma_wait3A_72 = tpu.memref_slice %arg3[%dma_wait3A_71, %add3A_68] : memref<200x16384xi32, #tpu.memory_space<hbm>> -> memref<200x128xi32, #tpu.memory_space<hbm>>
        tpu.wait_dma2 semaphore(%arg14 : memref<!tpu.dma_semaphore, #tpu.memory_space<semaphore_mem>>) src(%dma_wait3A_72 : memref<200x128xi32, #tpu.memory_space<hbm>>) dst(%arg10 : memref<200x128xi32, #tpu.memory_space<vmem>>)
        %ge3A_73 = arith.constant 2 : i32
        %ge3A_74 = arith.cmpi sge, %add3A_65, %ge3A_73 : i32
        %convert_element_type3A_75 = arith.extui %ge3A_74 : i1 to i32
        %cond3A_76 = arith.constant 0 : i32
        %cond3A_77 = arith.cmpi ne, %convert_element_type3A_75, %cond3A_76 : i32
        scf.if %cond3A_77 {
          %dma_wait3A_95 = arith.constant 0 : i32
          %dma_wait3A_96 = tpu.memref_slice %arg7[%dma_wait3A_95, %add3A_68] : memref<200x16384xf32, #tpu.memory_space<hbm>> -> memref<200x128xf32, #tpu.memory_space<hbm>>
          %dma_wait3A_97 = arith.constant 0 : i32
          %dma_wait3A_98 = tpu.memref_slice %arg7[%dma_wait3A_97, %add3A_68] : memref<200x16384xf32, #tpu.memory_space<hbm>> -> memref<200x128xf32, #tpu.memory_space<hbm>>
          tpu.wait_dma2 semaphore(%arg16 : memref<!tpu.dma_semaphore, #tpu.memory_space<semaphore_mem>>) src(%arg12 : memref<200x128xf32, #tpu.memory_space<vmem>>) dst(%dma_wait3A_98 : memref<200x128xf32, #tpu.memory_space<hbm>>)
        } else {
        }
        %scan3A_78 = arith.constant 0 : i32
        %scan3A_79 = arith.constant 0 : i32
        %scan3A_80 = arith.constant 200 : i32
        %scan3A_81 = arith.addi %scan3A_79, %scan3A_80 : i32
        %scan3A_82 = arith.constant 1 : i32
        scf.for %scan3A_95 = %scan3A_79 to %scan3A_81 step %scan3A_82  : i32 {
          %get3A = arith.index_cast %scan3A_95 : i32 to index
          %get3A_96 = arith.constant 0 : index
          %get3A_97 = tpu.vector_load %arg10[%get3A, %get3A_96] {strides = array<i32>} : memref<200x128xi32, #tpu.memory_space<vmem>>, vector<16xi32>,
          %get3A_98 = arith.index_cast %scan3A_95 : i32 to index
          %get3A_99 = arith.constant 16 : index
          %get3A_100 = tpu.vector_load %arg10[%get3A_98, %get3A_99] {strides = array<i32>} : memref<200x128xi32, #tpu.memory_space<vmem>>, vector<16xi32>,
          %get3A_101 = arith.index_cast %scan3A_95 : i32 to index
          %get3A_102 = arith.constant 32 : index
          %get3A_103 = tpu.vector_load %arg10[%get3A_101, %get3A_102] {strides = array<i32>} : memref<200x128xi32, #tpu.memory_space<vmem>>, vector<16xi32>,
          %get3A_104 = arith.index_cast %scan3A_95 : i32 to index
          %get3A_105 = arith.constant 48 : index
          %get3A_106 = tpu.vector_load %arg10[%get3A_104, %get3A_105] {strides = array<i32>} : memref<200x128xi32, #tpu.memory_space<vmem>>, vector<16xi32>,
          %get3A_107 = arith.index_cast %scan3A_95 : i32 to index
          %get3A_108 = arith.constant 64 : index
          %get3A_109 = tpu.vector_load %arg10[%get3A_107, %get3A_108] {strides = array<i32>} : memref<200x128xi32, #tpu.memory_space<vmem>>, vector<16xi32>,
          %get3A_110 = arith.index_cast %scan3A_95 : i32 to index
          %get3A_111 = arith.constant 80 : index
          %get3A_112 = tpu.vector_load %arg10[%get3A_110, %get3A_111] {strides = array<i32>} : memref<200x128xi32, #tpu.memory_space<vmem>>, vector<16xi32>,
          %get3A_113 = arith.index_cast %scan3A_95 : i32 to index
          %get3A_114 = arith.constant 96 : index
          %get3A_115 = tpu.vector_load %arg10[%get3A_113, %get3A_114] {strides = array<i32>} : memref<200x128xi32, #tpu.memory_space<vmem>>, vector<16xi32>,
          %get3A_116 = arith.index_cast %scan3A_95 : i32 to index
          %get3A_117 = arith.constant 112 : index
          %get3A_118 = tpu.vector_load %arg10[%get3A_116, %get3A_117] {strides = array<i32>} : memref<200x128xi32, #tpu.memory_space<vmem>>, vector<16xi32>,
          %gather3A = tpu.vector_load_idx %arg8[%get3A_97] : memref<20000xf32, #tpu.memory_space<vmem>>[vector<16xi32>], vector<16xf32>,
          %gather3A_119 = tpu.vector_load_idx %arg8[%get3A_100] : memref<20000xf32, #tpu.memory_space<vmem>>[vector<16xi32>], vector<16xf32>,
          %gather3A_120 = tpu.vector_load_idx %arg8[%get3A_103] : memref<20000xf32, #tpu.memory_space<vmem>>[vector<16xi32>], vector<16xf32>,
          %gather3A_121 = tpu.vector_load_idx %arg8[%get3A_106] : memref<20000xf32, #tpu.memory_space<vmem>>[vector<16xi32>], vector<16xf32>,
          %gather3A_122 = tpu.vector_load_idx %arg8[%get3A_109] : memref<20000xf32, #tpu.memory_space<vmem>>[vector<16xi32>], vector<16xf32>,
          %gather3A_123 = tpu.vector_load_idx %arg8[%get3A_112] : memref<20000xf32, #tpu.memory_space<vmem>>[vector<16xi32>], vector<16xf32>,
          %gather3A_124 = tpu.vector_load_idx %arg8[%get3A_115] : memref<20000xf32, #tpu.memory_space<vmem>>[vector<16xi32>], vector<16xf32>,
          %gather3A_125 = tpu.vector_load_idx %arg8[%get3A_118] : memref<20000xf32, #tpu.memory_space<vmem>>[vector<16xi32>], vector<16xf32>,
          %swap3A = arith.index_cast %scan3A_95 : i32 to index
          %swap3A_126 = arith.constant 0 : index
          %swap3A_127 = tpu.vector_load %arg12[%swap3A, %swap3A_126] {strides = array<i32>} : memref<200x128xf32, #tpu.memory_space<vmem>>, vector<16xf32>,
          tpu.vector_store %arg12[%swap3A, %swap3A_126], %gather3A {strides = array<i32>} : memref<200x128xf32, #tpu.memory_space<vmem>>, vector<16xf32>,
          %swap3A_128 = arith.index_cast %scan3A_95 : i32 to index
          %swap3A_129 = arith.constant 16 : index
          %swap3A_130 = tpu.vector_load %arg12[%swap3A_128, %swap3A_129] {strides = array<i32>} : memref<200x128xf32, #tpu.memory_space<vmem>>, vector<16xf32>,
          tpu.vector_store %arg12[%swap3A_128, %swap3A_129], %gather3A_119 {strides = array<i32>} : memref<200x128xf32, #tpu.memory_space<vmem>>, vector<16xf32>,
          %swap3A_131 = arith.index_cast %scan3A_95 : i32 to index
          %swap3A_132 = arith.constant 32 : index
          %swap3A_133 = tpu.vector_load %arg12[%swap3A_131, %swap3A_132] {strides = array<i32>} : memref<200x128xf32, #tpu.memory_space<vmem>>, vector<16xf32>,
          tpu.vector_store %arg12[%swap3A_131, %swap3A_132], %gather3A_120 {strides = array<i32>} : memref<200x128xf32, #tpu.memory_space<vmem>>, vector<16xf32>,
          %swap3A_134 = arith.index_cast %scan3A_95 : i32 to index
          %swap3A_135 = arith.constant 48 : index
          %swap3A_136 = tpu.vector_load %arg12[%swap3A_134, %swap3A_135] {strides = array<i32>} : memref<200x128xf32, #tpu.memory_space<vmem>>, vector<16xf32>,
          tpu.vector_store %arg12[%swap3A_134, %swap3A_135], %gather3A_121 {strides = array<i32>} : memref<200x128xf32, #tpu.memory_space<vmem>>, vector<16xf32>,
          %swap3A_137 = arith.index_cast %scan3A_95 : i32 to index
          %swap3A_138 = arith.constant 64 : index
          %swap3A_139 = tpu.vector_load %arg12[%swap3A_137, %swap3A_138] {strides = array<i32>} : memref<200x128xf32, #tpu.memory_space<vmem>>, vector<16xf32>,
          tpu.vector_store %arg12[%swap3A_137, %swap3A_138], %gather3A_122 {strides = array<i32>} : memref<200x128xf32, #tpu.memory_space<vmem>>, vector<16xf32>,
          %swap3A_140 = arith.index_cast %scan3A_95 : i32 to index
          %swap3A_141 = arith.constant 80 : index
          %swap3A_142 = tpu.vector_load %arg12[%swap3A_140, %swap3A_141] {strides = array<i32>} : memref<200x128xf32, #tpu.memory_space<vmem>>, vector<16xf32>,
          tpu.vector_store %arg12[%swap3A_140, %swap3A_141], %gather3A_123 {strides = array<i32>} : memref<200x128xf32, #tpu.memory_space<vmem>>, vector<16xf32>,
          %swap3A_143 = arith.index_cast %scan3A_95 : i32 to index
          %swap3A_144 = arith.constant 96 : index
          %swap3A_145 = tpu.vector_load %arg12[%swap3A_143, %swap3A_144] {strides = array<i32>} : memref<200x128xf32, #tpu.memory_space<vmem>>, vector<16xf32>,
          tpu.vector_store %arg12[%swap3A_143, %swap3A_144], %gather3A_124 {strides = array<i32>} : memref<200x128xf32, #tpu.memory_space<vmem>>, vector<16xf32>,
          %swap3A_146 = arith.index_cast %scan3A_95 : i32 to index
          %swap3A_147 = arith.constant 112 : index
          %swap3A_148 = tpu.vector_load %arg12[%swap3A_146, %swap3A_147] {strides = array<i32>} : memref<200x128xf32, #tpu.memory_space<vmem>>, vector<16xf32>,
          tpu.vector_store %arg12[%swap3A_146, %swap3A_147], %gather3A_125 {strides = array<i32>} : memref<200x128xf32, #tpu.memory_space<vmem>>, vector<16xf32>,
        }
        %scan3A_83 = arith.constant 200 : i32
        %dma_start3A_84 = arith.constant 0 : i32
        %dma_start3A_85 = tpu.memref_slice %arg7[%dma_start3A_84, %add3A_68] : memref<200x16384xf32, #tpu.memory_space<hbm>> -> memref<200x128xf32, #tpu.memory_space<hbm>>
        %dma_start3A_86 = arith.constant 0 : i32
        %dma_start3A_87 = tpu.memref_slice %arg7[%dma_start3A_86, %add3A_68] : memref<200x16384xf32, #tpu.memory_space<hbm>> -> memref<200x128xf32, #tpu.memory_space<hbm>>
        tpu.enqueue_dma source(%arg12 : memref<200x128xf32, #tpu.memory_space<vmem>>) target(%dma_start3A_87 : memref<200x128xf32, #tpu.memory_space<hbm>>) target_semaphore(%arg16 : memref<!tpu.dma_semaphore, #tpu.memory_space<semaphore_mem>>)
        %add3A_88 = arith.constant 2 : i32
        %add3A_89 = arith.addi %add3A_65, %add3A_88 : i32
        %lt3A_90 = arith.constant 8 : i32
        %lt3A_91 = arith.cmpi slt, %add3A_89, %lt3A_90 : i32
        %convert_element_type3A_92 = arith.extui %lt3A_91 : i1 to i32
        %cond3A_93 = arith.constant 0 : i32
        %cond3A_94 = arith.cmpi ne, %convert_element_type3A_92, %cond3A_93 : i32
        scf.if %cond3A_94 {
          %add3A_95 = arith.constant 256 : i32
          %add3A_96 = arith.addi %add3A_68, %add3A_95 : i32
          %dma_start3A_97 = arith.constant 0 : i32
          %dma_start3A_98 = tpu.memref_slice %arg3[%dma_start3A_97, %add3A_96] : memref<200x16384xi32, #tpu.memory_space<hbm>> -> memref<200x128xi32, #tpu.memory_space<hbm>>
          %dma_start3A_99 = arith.constant 0 : i32
          %dma_start3A_100 = tpu.memref_slice %arg3[%dma_start3A_99, %add3A_96] : memref<200x16384xi32, #tpu.memory_space<hbm>> -> memref<200x128xi32, #tpu.memory_space<hbm>>
          tpu.enqueue_dma source(%dma_start3A_100 : memref<200x128xi32, #tpu.memory_space<hbm>>) target(%arg10 : memref<200x128xi32, #tpu.memory_space<vmem>>) target_semaphore(%arg14 : memref<!tpu.dma_semaphore, #tpu.memory_space<semaphore_mem>>)
        } else {
        }
      }
      %scan3A_22 = arith.constant 4 : i32
      %dma_wait3A = arith.constant 0 : i32
      %dma_wait3A_23 = tpu.memref_slice %arg7[%dma_wait3A, %mul3A_7] : memref<200x16384xf32, #tpu.memory_space<hbm>> -> memref<200x128xf32, #tpu.memory_space<hbm>>
      %dma_wait3A_24 = arith.constant 0 : i32
      %dma_wait3A_25 = tpu.memref_slice %arg7[%dma_wait3A_24, %mul3A_7] : memref<200x16384xf32, #tpu.memory_space<hbm>> -> memref<200x128xf32, #tpu.memory_space<hbm>>
      tpu.wait_dma2 semaphore(%arg15 : memref<!tpu.dma_semaphore, #tpu.memory_space<semaphore_mem>>) src(%arg11 : memref<200x128xf32, #tpu.memory_space<vmem>>) dst(%dma_wait3A_25 : memref<200x128xf32, #tpu.memory_space<hbm>>)
      %dma_wait3A_26 = arith.constant 0 : i32
      %dma_wait3A_27 = tpu.memref_slice %arg7[%dma_wait3A_26, %mul3A_7] : memref<200x16384xf32, #tpu.memory_space<hbm>> -> memref<200x128xf32, #tpu.memory_space<hbm>>
      %dma_wait3A_28 = arith.constant 0 : i32
      %dma_wait3A_29 = tpu.memref_slice %arg7[%dma_wait3A_28, %mul3A_7] : memref<200x16384xf32, #tpu.memory_space<hbm>> -> memref<200x128xf32, #tpu.memory_space<hbm>>
      tpu.wait_dma2 semaphore(%arg16 : memref<!tpu.dma_semaphore, #tpu.memory_space<semaphore_mem>>) src(%arg12 : memref<200x128xf32, #tpu.memory_space<vmem>>) dst(%dma_wait3A_29 : memref<200x128xf32, #tpu.memory_space<hbm>>)
    } else {
    }
    return
  }
}

</mosaic_0001>

<sc_bundles>
// kernel: kernel.3.cloned.1.call-start
scs
__scs_entry_jumppad:
0x0: {  	(pc) =	sbr.rel $0x88, $3  }
0x1: {  	(tag) =	ssettag $0x0;
	lr =	simm.s32 $0x1  }
0x2: {  	[smem:$0x3F9D] =	sst lr;
	_ =	strace $0xD0000000  }
0x3: {  	_ = 	snop  }
0x4: {  	_ = 	snop  }
0x5: {  	_ = 	snop  }
0x6: {  	_ = 	snop  }
0x7: {  	_ = 	snop  }
__scs_overlays_trampoline_lowered:
0x8: {  	[smem:$0x3FAC] =	sst s0  }
0x9: {  	[smem:$0x3FAD] =	sst s1  }
0xa: {  	[smem:$0x3FAE] =	sst s2  }
0xb: {  	[smem:$0x3FAF] =	sst s3  }
0xc: {  	[smem:$0x3FB0] =	sst s4  }
0xd: {  	[smem:$0x3FB1] =	sst s5  }
0xe: {  	[smem:$0x3FB2] =	sst s6  }
0xf: {  	[smem:$0x3FB3] =	sst s7  }
0x10: {  	[smem:$0x3FB4] =	sst s8  }
0x11: {  	[smem:$0x3FB5] =	sst s9;
	s0 =	simm.s32 @!p0 $0x0  }
0x12: {  	s1 =	sld [smem:$0x3F9B];
	s0 =	simm.s32 @p0 $0x1  }
0x13: {  	[smem:$0x3FB6] =	sst s0;
	s0 =	simm.s32 @!p1 $0x0  }
0x14: {  	s2 =	sld [smem:$0x3F9A];
	s0 =	simm.s32 @p1 $0x1  }
0x15: {  	[smem:$0x3FB7] =	sst s0;
	s0 =	simm.s32 @!p2 $0x0  }
0x16: {  	s3 =	sld [smem:$0x3FDB];
	s0 =	simm.s32 @p2 $0x1  }
0x17: {  	s4 =	simm.s32 $0x1BF5;
	[smem:$0x3FB9] =	sst s0  }
0x18: {  	s0 =	sld [smem:$0x3F9C];
	_ =	swait.ge [sflag:s4], $0x0  }
0x19: {  	s7 =	sld [smem:$0x3F9D]  }
0x1a: {  	s8 =	sadd.s32 $0xFFFFE003, lr  }
0x1b: {  	s9 =	sadd.s32 $0xFFFFFEF7, lr;
	s5 =	simm.s32 $0xFFFFFFFF;
	p2 =	slt.u32 s8, $0xFFFFF086  }
0x1c: {  	p1 =	slt.u32 s9, $0xF7A;
	s5 =	simm.s32 @!p2 $0x0  }
0x1d: {  	s5 =	simm.s32 @p1 $0x1;
	p0 =	seq.s32 s7, s2  }
0x1e: {  	s7 =	smul.u32 @!p0 $0xF7A, s2;
	p2 =	seq.s32 @!p0 s5, $0x0  }
0x1f: {  	s9 =	smul.u32 $0xF7A, s1;
	s8 =	simm.s32 @!p0 $0x1BF5;
	p2 =	por !p2, p0  }
0x20: {  	[sflag:s8] =	ssyncset.s32 @!p0 $0xFFFFF086;
	s6 =	sadd.s32 @!p0 s3, s7;
	s7 =	simm.s32 @!p0 $0x108  }
0x21: {  	s3 =	sadd.s32 s3, s9;
	s6 =	sadd.s32 @!p0 $0x88, s6;
	s7 =	simm.s32 @p2 $0x1082  }
0x22: {  	[simem:s7], [sflag:s8] =	dma.local @!p0 [hbm:s6], $0xF7A  }
0x23: {  	s9 =	sor.u32 $0xD0000000, s2;
	s6 =	simm.s32 $0x108;
	_ =	swait.ge @!p0 [sflag:s8], $0x0  }
0x24: {  	s3 =	sadd.s32 $0x88, s3;
	s6 =	simm.s32 @!p1 $0x1082;
	[sflag:s4] =	ssyncset.s32 $0xFFFFF086  }
0x25: {  	[simem:s6], [sflag:s4] =	dma.local [hbm:s3], $0xF7A  }
0x26: {  	[smem:$0x3F9D] =	sst s1;
	(tag) =	ssettag s2;
	_ =	strace s9  }
0x27: {  	s1 =	sld [smem:$0x3FAD]  }
0x28: {  	s2 =	sld [smem:$0x3FAE]  }
0x29: {  	s4 =	sld [smem:$0x3FB0]  }
0x2a: {  	p0 =	seq.s32 s5, $0x0;
	s5 =	sld [smem:$0x3FB1]  }
0x2b: {  	s6 =	sld [smem:$0x3FB2]  }
0x2c: {  	s7 =	sld [smem:$0x3FB3]  }
0x2d: {  	s3 =	simm.s32 $0x108;
	s8 =	sld [smem:$0x3FB4]  }
0x2e: {  	s3 =	simm.s32 @!p0 $0x1082;
	s9 =	sld [smem:$0x3FB5]  }
0x2f: {  	lr =	sadd.s32 s0, s3;
	s0 =	sld [smem:$0x3FAC]  }
0x30: {  	s3 =	sld [smem:$0x3FAF]  }
0x31: {  	[smem:$0x3FB8] =	sst s10  }
0x32: {  	s10 =	sld [smem:$0x3FB6];
	_ =	sdelay $0x3  }
0x33: {  	p0 =	seq.s32 s10, $0x1;
	s10 =	sld [smem:$0x3FB8];
	_ =	sdelay $0x3  }
0x34: {  	[smem:$0x3FB8] =	sst s10  }
0x35: {  	s10 =	sld [smem:$0x3FB7];
	_ =	sdelay $0x3  }
0x36: {  	p1 =	seq.s32 s10, $0x1;
	s10 =	sld [smem:$0x3FB8];
	_ =	sdelay $0x3  }
0x37: {  	[smem:$0x3FB8] =	sst s10  }
0x38: {  	s10 =	sld [smem:$0x3FB9]  }
0x39: {  	_ = 	snop;
	(pc) =	sbr.ind lr, $3  }
0x3a: {  	_ = 	snop  }
0x3b: {  	_ = 	snop  }
0x3c: {  	p2 =	seq.s32 s10, $0x1;
	s10 =	sld [smem:$0x3FB8]  }
0x3d: {  	_ =	shalt  }
0x3e: {  	_ =	shalt  }
0x3f: {  	_ =	shalt  }
0x40: {  	_ =	shalt  }
0x41: {  	_ =	shalt  }
0x42: {  	_ =	shalt  }
0x43: {  	_ =	shalt  }
0x44: {  	_ =	shalt  }
0x45: {  	_ =	shalt  }
0x46: {  	_ =	shalt  }
0x47: {  	_ =	shalt  }
0x48: {  	_ =	shalt  }
0x49: {  	_ =	shalt  }
0x4a: {  	_ =	shalt  }
0x4b: {  	_ =	shalt  }
0x4c: {  	_ =	shalt  }
0x4d: {  	_ =	shalt  }
0x4e: {  	_ =	shalt  }
0x4f: {  	_ =	shalt  }
0x50: {  	_ =	shalt  }
0x51: {  	_ =	shalt  }
0x52: {  	_ =	shalt  }
0x53: {  	_ =	shalt  }
0x54: {  	_ =	shalt  }
0x55: {  	_ =	shalt  }
0x56: {  	_ =	shalt  }
0x57: {  	_ =	shalt  }
0x58: {  	_ =	shalt  }
0x59: {  	_ =	shalt  }
0x5a: {  	_ =	shalt  }
0x5b: {  	_ =	shalt  }
0x5c: {  	_ =	shalt  }
0x5d: {  	_ =	shalt  }
0x5e: {  	_ =	shalt  }
0x5f: {  	_ =	shalt  }
0x60: {  	_ =	shalt  }
0x61: {  	_ =	shalt  }
0x62: {  	_ =	shalt  }
0x63: {  	_ =	shalt  }
0x64: {  	_ =	shalt  }
0x65: {  	_ =	shalt  }
0x66: {  	_ =	shalt  }
0x67: {  	_ =	shalt  }
0x68: {  	_ =	shalt  }
0x69: {  	_ =	shalt  }
0x6a: {  	_ =	shalt  }
0x6b: {  	_ =	shalt  }
0x6c: {  	_ =	shalt  }
0x6d: {  	_ =	shalt  }
0x6e: {  	_ =	shalt  }
0x6f: {  	_ =	shalt  }
0x70: {  	_ =	shalt  }
0x71: {  	_ =	shalt  }
0x72: {  	_ =	shalt  }
0x73: {  	_ =	shalt  }
0x74: {  	_ =	shalt  }
0x75: {  	_ =	shalt  }
0x76: {  	_ =	shalt  }
0x77: {  	_ =	shalt  }
0x78: {  	_ =	shalt  }
0x79: {  	_ =	shalt  }
0x7a: {  	_ =	shalt  }
0x7b: {  	_ =	shalt  }
0x7c: {  	_ =	shalt  }
0x7d: {  	_ =	shalt  }
0x7e: {  	_ =	shalt  }
0x7f: {  	_ =	shalt  }
0x80: {  	_ =	shalt  }
0x81: {  	_ =	shalt  }
0x82: {  	_ =	shalt  }
0x83: {  	_ =	shalt  }
0x84: {  	_ =	shalt  }
0x85: {  	_ =	shalt  }
0x86: {  	_ =	shalt  }
0x87: {  	_ =	shalt  }
.Lfunc_end0:
.L_simem_size_0:
called_computation_lowered:
.L_overlay_start_0:
0x88: {  	s2 =	sld [smem:$0x3FD9]  }
0x89: {  	s3 =	sld [smem:$0x3FFE];
	_ =	sdelay $0x1  }
0x8a: {  	s1 =	srdreg.scid  }
0x8b: {  	s0 =	sand.u32 $0x1, s1  }
0x8c: {  	s15 =	sshll.u32 s0, $0xA;
	s2 =	sadd.s32 s3, s2  }
0x8d: {  	s2 =	sadd.s32 s2, s15  }
0x8e: {  	[smem:$0x3FC4] =	sst s2  }
0x8f: {  	_ = 	snop  }
0x90: {  	s2 =	sld [smem:$0x3FC9]  }
0x91: {  	s16 =	sld [smem:$0x3FD0]  }
0x92: {  	s4 =	sld [smem:$0x3FC8]  }
0x93: {  	s5 =	sld [smem:$0x3FC7]  }
0x94: {  	s7 =	simm.s32 $0xA;
	s8 =	simm.s32 $0x10;
	s6 =	sld [smem:$0x3FC6]  }
0x95: {  	[smem:s8], [sflag:s7] =	dma.local [hbm:s16], $0x1  }
0x96: {  	_ =	swait.eq [sflag:s7], $0x1  }
0x97: {  	[sflag:s7] =	ssyncset.done $0x0  }
0x98: {  	s17 =	sld [smem:$0x10];
	[sflag:s7] =	ssyncadd.s32 $0xFFFFFFFF  }
0x99: {  	s18 =	sld [smem:$0x11];
	(tm) =	ssettm $0x1  }
0x9a: {  	s19 =	sld [smem:$0x3FFB];
	_ =	sdelay $0x3  }
0x9b: {  	_ =	strace s19  }
0x9c: {  	s8 =	sld [smem:$0x3FFC];
	_ =	sdelay $0x3  }
0x9d: {  	_ =	strace s8  }
0x9e: {  	s8 =	sld [smem:$0x3FFD];
	_ =	sdelay $0x3  }
0x9f: {  	_ =	strace s8  }
0xa0: {  	_ =	strace $0x8FFFFFFF  }
0xa1: {  	s20 =	sld [smem:$0x3FDB];
	_ =	sdelay $0x1  }
0xa2: {  	s9 =	simm.s32 $_scs_section_size  }
0xa3: {  	s10 =	simm.s32 $_size__tile_overlayer_lowered;
	s11 =	simm.s32 $_tile_overlayer_lowered  }
0xa4: {  	s23 =	simm.s32 $0x1BFF;
	s22 =	sshll.u32 s11, $0x1;
	s8 =	sadd.s32 s9, s20  }
0xa5: {  	s12 =	simm.s32 $0x0;
	s21 =	sshll.u32 s10, $0x1;
	s10 =	sadd.s32 s22, s8  }
0xa6: {  	[timem:s12], [sflag:s23] =	dma.local [hbm:s10], s21  }
0xa7: {  	_ =	swait.ge [sflag:s23], s21  }
0xa8: {  	s9 =	ssub.s32 $0x0, s21;
	[sflag:s23] =	ssyncset.done $0x0  }
0xa9: {  	[sflag:s23] =	ssyncadd.s32 s9;
	_ =	sdelay $0x1  }
0xaa: {  	s24 =	simm.s32 $0x1B8B  }
0xab: {  	_ =	swait.ge [sflag:s24], $0x1  }
0xac: {  	[sflag:s24] =	ssyncset.done $0x0  }
0xad: {  	s25 =	simm.s32 $0x1B8E;
	[sflag:s24] =	ssyncadd.s32 $0xFFFFFFFF  }
0xae: {  	s26 =	simm.s32 $execute0_lowered;
	[smem:$0x3FD2] =	sst s25  }
0xaf: {  	s9 =	sshll.u32 s26, $0x1;
	_ =	strace $0x80000046;
	[dreg:$0x1] =	wrdreg $0xFFFFFFFF  }
0xb0: {  	s28 =	simm.s32 $_size_execute0_lowered;
	s8 =	sadd.s32 s8, s9;
	[dreg:$0x0] =	wrdreg $0x0  }
0xb1: {  	s9 =	sshll.u32 s28, $0x1;
	[dreg:$0x2] =	wrdreg s8  }
0xb2: {  	[dreg:$0x3] =	wrdreg s9  }
0xb3: {  	[dreg:$0x4] =	wrdreg $0xC0  }
0xb4: {  	_ =	task [dreg:s12], $0x5FFFF  }
0xb5: {  	[dreg:$0x1] =	wrdreg $0xFFFFFFFF  }
0xb6: {  	[dreg:$0x0] =	wrdreg $0x60  }
0xb7: {  	[dreg:$0x2] =	wrdreg s2  }
0xb8: {  	[dreg:$0x3] =	wrdreg s4  }
0xb9: {  	[dreg:$0x4] =	wrdreg s5  }
0xba: {  	[dreg:$0x5] =	wrdreg s6  }
0xbb: {  	[dreg:$0x6] =	wrdreg s17  }
0xbc: {  	[dreg:$0x7] =	wrdreg s18  }
0xbd: {  	[dreg:$0x8] =	wrdreg $0x9  }
0xbe: {  	_ =	task.clear_ibuf [dreg:s12], $0x9FFFF;
	_ =	strace $0x90000046  }
0xbf: {  	s29 =	simm.s32 $0x9;
	_ =	strace $0x80000048  }
0xc0: {  	_ =	swait.ge [sflag:s29], $0x1  }
0xc1: {  	[sflag:s29] =	ssyncadd.s32 $0xFFFFFFFF  }
0xc2: {  	_ =	strace $0x90000048  }
0xc3: {  	_ =	sfence  }
0xc4: {  	s30 =	sld [smem:$0x0];
	_ =	sdelay $0x2  }
0xc5: {  	s31 =	sshll.u32 s1, $0xD;
	s1 =	sshrl.u32 s1, $0x2  }
0xc6: {  	s3 =	sand.u32 $0x4000, s31;
	s1 =	sadd.s32 s1, s30  }
0xc7: {  	s0 =	sor.u32 s3, s0;
	s1 =	sshll.u32 s1, $0x11  }
0xc8: {  	s0 =	sor.u32 s1, s0  }
0xc9: {  	s0 =	sadd.s32 $0x8F2B, s0  }
0xca: {  	[sflag:s0] =	ssyncadd.remote.s32 $0x1  }
0xcb: {  	_ =	sfence.sel $0xFFFF  }
0xcc: {  	[dreg:$0x0] =	wrdreg $0xFFFFFFFF;
	(pc) =	sbr.abs _section_cstart, $3  }
0xcd: {  	[dreg:$0x1] =	wrdreg $0xFFFFFFFF  }
0xce: {  	_ =	task.clear_ibuf [dreg:s12], $0x2FFFF;
	_ =	strace $0x9FFFFFFF  }
0xcf: {  	(tm) =	ssettm $0x7FFFFFFF  }
tec
execute0_lowered:
.L_overlay_start_1:
0x0: {  	(tag) =	ssettag $0x1  }
0x1: {  	s0 =	rddreg [dreg:$0x0]  }
0x2: {  	s13 =	rddreg [dreg:$0x1]  }
0x3: {  	s1 =	rddreg [dreg:$0x2]  }
0x4: {  	s2 =	rddreg [dreg:$0x3]  }
0x5: {  	s3 =	rddreg [dreg:$0x4]  }
0x6: {  	s4 =	rddreg [dreg:$0x5];
	s5 =	srdreg.scid  }
0x7: {  	s6 =	simm.s32 $0x0;
	s31 =	stileid.u32;
	s15 =	simm.s32 $0x400  }
0x8: {  	s16 =	simm.s32 $0x20000;
	s17 =	simm.s32 $0x4E80;
	s18 =	simm.s32 $0xB280  }
0x9: {  	s19 =	simm.s32 $0x5;
	s20 =	simm.s32 $0x1;
	s21 =	simm.s32 $0x11680  }
0xa: {  	s22 =	simm.s32 $0x2;
	s23 =	simm.s32 $0x17A80;
	s24 =	simm.s32 $0x3  }
0xb: {  	s25 =	simm.s32 $0x4;
	s26 =	simm.s32 $0x0;
	s8 =	sand.u32 $0x1, s5  }
.Ltmp0:
0xc: {  	[smem:$0x7FF] =	sst s6;
	s7 =	sshll.u32 s31, $0xA;
	(pc) =	sbr.rel .LBB2_1-.Ltmp0, $4  }
0xd: {  	s9 =	ssub.s32 $0x2, s8;
	_ =	strace $0x80000047;
	p0 =	seq.s32 s8, $0x1  }
0xe: {  	s8 =	sadd.s32 s0, s7;
	s11 =	sadd.s32 s13, s7;
	s10 =	sshrl.u32 s9, $0x1  }
0xf: {  	s13 =	sadd.s32 $0x100, s13;
	s12 =	sadd.s32 $0x80, s11;
	s14 =	ssub.s32 s9, s10  }
0x10: {  	s9 =	sadd.s32 $0x80, s8;
	s10 =	sadd.s32 $0x100, s0;
	s14 =	smax.u32 s14, $0x1  }
.LBB2_16:
0x11: {  	s26 =	sadd.s32 $0x1, s26  }
0x12: {  	_ =	swait.ge [sflag:s24], $0x6400;
	p1 =	sne.s32 s26, s14  }
.Ltmp1:
0x13: {  	[sflag:s24] =	ssyncset.done $0x0;
	(pc) =	sbr.rel @!p1 .LBB2_17-.Ltmp1, $4  }
0x14: {  	[sflag:s24] =	ssyncadd.s32 $0xFFFF9C00  }
0x15: {  	_ =	swait.ge [sflag:s25], $0x6400  }
0x16: {  	[sflag:s25] =	ssyncset.done $0x0  }
0x17: {  	[sflag:s25] =	ssyncadd.s32 $0xFFFF9C00  }
.LBB2_1:
.Ltmp2:
0x18: {  	(pc) =	sbr.rel @!p0 .LBB2_2-.Ltmp2, $1  }
0x19: {  	_ =	sdelay $0x3  }
0x1a: {  	[tilespmem:s17], [sflag:$0x1] =	stream.strided.gather [hbm4b:s11+s15], $0x6400, s16, s15, $0x38;
	[tilespmem:$0x1DE80] =	vst v63  }
0x1b: {  	_ = 	snop  }
0x1c: {  	[tilespmem:s18], [sflag:$0x2] =	stream.strided.gather [hbm4b:s12+s15], $0x6400, s16, s15, $0x38;
	[tilespmem:$0x1DE80] =	vst v63  }
0x1d: {  	s28 =	simm.s32 $0x0  }
0x1e: {  	[tilespmem:s28], [sflag:$0x5] =	stream.linear.gather [hbm4b:s2+s28], $0x4E80, $0x38;
	[tilespmem:$0x1DE80] =	vst v63  }
0x1f: {  	_ =	swait.ge [sflag:s19], $0x4E80  }
0x20: {  	[sflag:s19] =	ssyncset.done $0x0  }
0x21: {  	[sflag:s19] =	ssyncadd.s32 $0xFFFFB180  }
.LBB2_10:
0x22: {  	_ =	swait.ge [sflag:s20], $0x6400  }
0x23: {  	p1 =	seq.s32 s28, $0x0;
	[sflag:s20] =	ssyncset.done $0x0  }
0x24: {  	s0 =	simm.s32 @!p1 $0x3;
	[sflag:s20] =	ssyncadd.s32 $0xFFFF9C00  }
0x25: {  	_ =	swait.ge @!p1 [sflag:s0], $0x6400  }
0x26: {  	[sflag:s0] =	ssyncset.done @!p1 $0x0  }
0x27: {  	s30 =	simm.s32 $0x0;
	[sflag:s0] =	ssyncadd.s32 @!p1 $0xFFFF9C00  }
0x28: {  	v0 =	vld [tilespmem:s30+$0x4E80]  }
0x29: {  	v1 =	vld [tilespmem:s30+$0x4EF0]  }
0x2a: {  	v2 =	vld [tilespmem:s30+$0x4E90]  }
0x2b: {  	v3 =	vld [tilespmem:s30+$0x4EA0]  }
0x2c: {  	v4 =	vld [tilespmem:s30+$0x4EB0]  }
0x2d: {  	v7 =	vld [tilespmem:s30+$0x4EC0]  }
0x2e: {  	v8 =	vld [tilespmem:s30+$0x4ED0]  }
0x2f: {  	v9 =	vld [tilespmem:s30+$0x4EE0]  }
0x30: {  	v10 =	vld.idx.msk [tilespmem:v0+s6+$0x0], $0xffff  }
0x31: {  	v1 =	vld.idx.msk [tilespmem:v1+s6+$0x0], $0xffff  }
0x32: {  	v6 =	vld.idx.msk [tilespmem:v2+s6+$0x0], $0xffff  }
0x33: {  	v5 =	vld.idx.msk [tilespmem:v3+s6+$0x0], $0xffff  }
0x34: {  	v4 =	vld.idx.msk [tilespmem:v4+s6+$0x0], $0xffff  }
0x35: {  	v3 =	vld.idx.msk [tilespmem:v7+s6+$0x0], $0xffff  }
0x36: {  	v2 =	vld.idx.msk [tilespmem:v8+s6+$0x0], $0xffff  }
0x37: {  	s31 =	simm.s32 $0x80;
	s5 =	sshll.u32 s28, $0x8;
	v0 =	vld.idx.msk [tilespmem:v9+s6+$0x0], $0xffff;
	[tilespmem:s30+$0x116F0] =	vst v1  }
0x38: {  	s29 =	sor.u32 s7, s5;
	s0 =	simm.s32 $0x400;
	v1 =	vld [tilespmem:s31+$0x4E80];
	[tilespmem:s30+$0x11680] =	vst v10  }
.LBB2_11:
0x39: {  	p2 =	sne.s32 s0, $0x18E00;
	v7 =	vld [tilespmem:s31+$0x4EF0];
	[tilespmem:s30+$0x11690] =	vst v6  }
0x3a: {  	v6 =	vld [tilespmem:s31+$0x4E90];
	[tilespmem:s30+$0x116A0] =	vst v5  }
0x3b: {  	v5 =	vld [tilespmem:s31+$0x4EA0];
	[tilespmem:s30+$0x116B0] =	vst v4  }
0x3c: {  	v4 =	vld [tilespmem:s31+$0x4EB0];
	[tilespmem:s30+$0x116C0] =	vst v3  }
0x3d: {  	v3 =	vld [tilespmem:s31+$0x4EC0];
	[tilespmem:s30+$0x116D0] =	vst v2  }
0x3e: {  	v2 =	vld [tilespmem:s31+$0x4ED0];
	[tilespmem:s30+$0x116E0] =	vst v0;
	s30 =	smov.u32 s31  }
0x3f: {  	v0 =	vld [tilespmem:s30+$0x4EE0]  }
0x40: {  	v8 =	vld.idx.msk [tilespmem:v1+s6+$0x0], $0xffff  }
0x41: {  	v1 =	vld.idx.msk [tilespmem:v7+s6+$0x0], $0xffff  }
0x42: {  	v6 =	vld.idx.msk [tilespmem:v6+s6+$0x0], $0xffff  }
0x43: {  	v5 =	vld.idx.msk [tilespmem:v5+s6+$0x0], $0xffff  }
.Ltmp3:
0x44: {  	v4 =	vld.idx.msk [tilespmem:v4+s6+$0x0], $0xffff;
	(pc) =	sbr.rel @p2 .LBB2_11-.Ltmp3, $4  }
0x45: {  	v3 =	vld.idx.msk [tilespmem:v3+s6+$0x0], $0xffff  }
0x46: {  	v2 =	vld.idx.msk [tilespmem:v2+s6+$0x0], $0xffff  }
0x47: {  	s31 =	sshra.s32 s0, $0x2;
	v0 =	vld.idx.msk [tilespmem:v0+s6+$0x0], $0xffff;
	[tilespmem:s30+$0x116F0] =	vst v1  }
0x48: {  	s0 =	sadd.s32 $0x200, s0;
	v1 =	vld [tilespmem:s31+$0x4E80];
	[tilespmem:s30+$0x11680] =	vst v8  }
0x49: {  	_ = 	snop  }
0x4a: {  	v7 =	vld [tilespmem:s31+$0x4EF0];
	[tilespmem:s30+$0x11690] =	vst v6  }
0x4b: {  	v6 =	vld [tilespmem:s31+$0x4E90];
	[tilespmem:s30+$0x116A0] =	vst v5  }
0x4c: {  	v5 =	vld [tilespmem:s31+$0x4EA0];
	[tilespmem:s30+$0x116B0] =	vst v4  }
0x4d: {  	v4 =	vld [tilespmem:s31+$0x4EB0];
	[tilespmem:s30+$0x116C0] =	vst v3  }
0x4e: {  	v3 =	vld [tilespmem:s31+$0x4EC0];
	[tilespmem:s30+$0x116D0] =	vst v2  }
0x4f: {  	v2 =	vld [tilespmem:s31+$0x4ED0];
	[tilespmem:s30+$0x116E0] =	vst v0  }
0x50: {  	v0 =	vld [tilespmem:s31+$0x4EE0]  }
0x51: {  	v1 =	vld.idx.msk [tilespmem:v1+s6+$0x0], $0xffff  }
0x52: {  	v7 =	vld.idx.msk [tilespmem:v7+s6+$0x0], $0xffff  }
0x53: {  	v6 =	vld.idx.msk [tilespmem:v6+s6+$0x0], $0xffff  }
0x54: {  	v5 =	vld.idx.msk [tilespmem:v5+s6+$0x0], $0xffff  }
0x55: {  	v4 =	vld.idx.msk [tilespmem:v4+s6+$0x0], $0xffff  }
0x56: {  	v3 =	vld.idx.msk [tilespmem:v3+s6+$0x0], $0xffff  }
0x57: {  	v2 =	vld.idx.msk [tilespmem:v2+s6+$0x0], $0xffff  }
0x58: {  	v0 =	vld.idx.msk [tilespmem:v0+s6+$0x0], $0xffff;
	[tilespmem:s31+$0x116F0] =	vst v7  }
0x59: {  	[tilespmem:s31+$0x11680] =	vst v1  }
0x5a: {  	[tilespmem:s31+$0x11690] =	vst v6  }
0x5b: {  	[tilespmem:s31+$0x116A0] =	vst v5  }
0x5c: {  	[tilespmem:s31+$0x116B0] =	vst v4  }
0x5d: {  	[tilespmem:s31+$0x116C0] =	vst v3  }
0x5e: {  	p2 =	seq.s32 s28, $0x3;
	[tilespmem:s31+$0x116D0] =	vst v2  }
0x5f: {  	s0 =	sadd.s32 s4, s29;
	s5 =	simm.s32 @!p2 $0x400;
	[tilespmem:s31+$0x116E0] =	vst v0  }
0x60: {  	[hbm4b:s0+s15] =	stream.strided.scatter [tilespmem:s21], [sflag:$0x3], $0x6400, s16, s15, $0x38;
	[tilespmem:$0x1DE80] =	vst v63  }
0x61: {  	s30 =	simm.s32 @!p2 $0x20000;
	s31 =	simm.s32 @!p2 $0x4E80;
	s0 =	sadd.s32 @!p2 s29, s13  }
0x62: {  	[tilespmem:s31], [sflag:$0x1] =	stream.strided.gather @!p2 [hbm4b:s0+s5], $0x6400, s30, s5, $0x38;
	[tilespmem:$0x1DE80] =	vst v63  }
0x63: {  	_ =	swait.ge [sflag:s22], $0x6400  }
0x64: {  	[sflag:s22] =	ssyncset.done $0x0  }
0x65: {  	s0 =	simm.s32 @!p1 $0x4;
	[sflag:s22] =	ssyncadd.s32 $0xFFFF9C00  }
0x66: {  	_ =	swait.ge @!p1 [sflag:s0], $0x6400  }
0x67: {  	[sflag:s0] =	ssyncset.done @!p1 $0x0  }
0x68: {  	s30 =	simm.s32 $0x0;
	[sflag:s0] =	ssyncadd.s32 @!p1 $0xFFFF9C00  }
0x69: {  	v0 =	vld [tilespmem:s30+$0xB280]  }
0x6a: {  	v1 =	vld [tilespmem:s30+$0xB2F0]  }
0x6b: {  	v2 =	vld [tilespmem:s30+$0xB290]  }
0x6c: {  	v3 =	vld [tilespmem:s30+$0xB2A0]  }
0x6d: {  	v4 =	vld [tilespmem:s30+$0xB2B0]  }
0x6e: {  	v7 =	vld [tilespmem:s30+$0xB2C0]  }
0x6f: {  	v8 =	vld [tilespmem:s30+$0xB2D0]  }
0x70: {  	v9 =	vld [tilespmem:s30+$0xB2E0]  }
0x71: {  	v10 =	vld.idx.msk [tilespmem:v0+s6+$0x0], $0xffff  }
0x72: {  	v0 =	vld.idx.msk [tilespmem:v1+s6+$0x0], $0xffff  }
0x73: {  	v6 =	vld.idx.msk [tilespmem:v2+s6+$0x0], $0xffff  }
0x74: {  	v5 =	vld.idx.msk [tilespmem:v3+s6+$0x0], $0xffff  }
0x75: {  	v4 =	vld.idx.msk [tilespmem:v4+s6+$0x0], $0xffff  }
0x76: {  	v3 =	vld.idx.msk [tilespmem:v7+s6+$0x0], $0xffff  }
0x77: {  	v2 =	vld.idx.msk [tilespmem:v8+s6+$0x0], $0xffff  }
0x78: {  	s31 =	simm.s32 $0x80;
	v1 =	vld.idx.msk [tilespmem:v9+s6+$0x0], $0xffff;
	[tilespmem:s30+$0x17AF0] =	vst v0  }
0x79: {  	s29 =	sor.u32 $0x80, s29;
	s0 =	simm.s32 $0x400;
	v0 =	vld [tilespmem:s31+$0xB280];
	[tilespmem:s30+$0x17A80] =	vst v10  }
.LBB2_13:
0x7a: {  	p1 =	sne.s32 s0, $0x18E00;
	v7 =	vld [tilespmem:s31+$0xB2F0];
	[tilespmem:s30+$0x17A90] =	vst v6  }
0x7b: {  	v6 =	vld [tilespmem:s31+$0xB290];
	[tilespmem:s30+$0x17AA0] =	vst v5  }
0x7c: {  	v5 =	vld [tilespmem:s31+$0xB2A0];
	[tilespmem:s30+$0x17AB0] =	vst v4  }
0x7d: {  	v4 =	vld [tilespmem:s31+$0xB2B0];
	[tilespmem:s30+$0x17AC0] =	vst v3  }
0x7e: {  	v3 =	vld [tilespmem:s31+$0xB2C0];
	[tilespmem:s30+$0x17AD0] =	vst v2  }
0x7f: {  	v2 =	vld [tilespmem:s31+$0xB2D0];
	[tilespmem:s30+$0x17AE0] =	vst v1;
	s30 =	smov.u32 s31  }
0x80: {  	v1 =	vld [tilespmem:s30+$0xB2E0]  }
0x81: {  	v8 =	vld.idx.msk [tilespmem:v0+s6+$0x0], $0xffff  }
0x82: {  	v0 =	vld.idx.msk [tilespmem:v7+s6+$0x0], $0xffff  }
0x83: {  	v6 =	vld.idx.msk [tilespmem:v6+s6+$0x0], $0xffff  }
0x84: {  	v5 =	vld.idx.msk [tilespmem:v5+s6+$0x0], $0xffff  }
.Ltmp4:
0x85: {  	v4 =	vld.idx.msk [tilespmem:v4+s6+$0x0], $0xffff;
	(pc) =	sbr.rel @p1 .LBB2_13-.Ltmp4, $4  }
0x86: {  	v3 =	vld.idx.msk [tilespmem:v3+s6+$0x0], $0xffff  }
0x87: {  	v2 =	vld.idx.msk [tilespmem:v2+s6+$0x0], $0xffff  }
0x88: {  	s31 =	sshra.s32 s0, $0x2;
	v1 =	vld.idx.msk [tilespmem:v1+s6+$0x0], $0xffff;
	[tilespmem:s30+$0x17AF0] =	vst v0  }
0x89: {  	s0 =	sadd.s32 $0x200, s0;
	v0 =	vld [tilespmem:s31+$0xB280];
	[tilespmem:s30+$0x17A80] =	vst v8  }
0x8a: {  	_ = 	snop  }
0x8b: {  	v7 =	vld [tilespmem:s31+$0xB2F0];
	[tilespmem:s30+$0x17A90] =	vst v6  }
0x8c: {  	v6 =	vld [tilespmem:s31+$0xB290];
	[tilespmem:s30+$0x17AA0] =	vst v5  }
0x8d: {  	v5 =	vld [tilespmem:s31+$0xB2A0];
	[tilespmem:s30+$0x17AB0] =	vst v4  }
0x8e: {  	v4 =	vld [tilespmem:s31+$0xB2B0];
	[tilespmem:s30+$0x17AC0] =	vst v3  }
0x8f: {  	v3 =	vld [tilespmem:s31+$0xB2C0];
	[tilespmem:s30+$0x17AD0] =	vst v2  }
0x90: {  	v2 =	vld [tilespmem:s31+$0xB2D0];
	[tilespmem:s30+$0x17AE0] =	vst v1  }
0x91: {  	v1 =	vld [tilespmem:s31+$0xB2E0]  }
0x92: {  	v0 =	vld.idx.msk [tilespmem:v0+s6+$0x0], $0xffff  }
0x93: {  	v7 =	vld.idx.msk [tilespmem:v7+s6+$0x0], $0xffff  }
0x94: {  	v6 =	vld.idx.msk [tilespmem:v6+s6+$0x0], $0xffff  }
0x95: {  	v5 =	vld.idx.msk [tilespmem:v5+s6+$0x0], $0xffff  }
0x96: {  	v4 =	vld.idx.msk [tilespmem:v4+s6+$0x0], $0xffff  }
0x97: {  	v3 =	vld.idx.msk [tilespmem:v3+s6+$0x0], $0xffff  }
0x98: {  	v2 =	vld.idx.msk [tilespmem:v2+s6+$0x0], $0xffff  }
0x99: {  	v1 =	vld.idx.msk [tilespmem:v1+s6+$0x0], $0xffff;
	[tilespmem:s31+$0x17AF0] =	vst v7  }
0x9a: {  	[tilespmem:s31+$0x17A80] =	vst v0  }
0x9b: {  	[tilespmem:s31+$0x17A90] =	vst v6  }
0x9c: {  	[tilespmem:s31+$0x17AA0] =	vst v5  }
.Ltmp5:
0x9d: {  	[tilespmem:s31+$0x17AB0] =	vst v4;
	(pc) =	sbr.rel @p2 .LBB2_16-.Ltmp5, $4  }
0x9e: {  	[tilespmem:s31+$0x17AC0] =	vst v3  }
0x9f: {  	[tilespmem:s31+$0x17AD0] =	vst v2  }
0xa0: {  	s0 =	sadd.s32 s4, s29;
	[tilespmem:s31+$0x17AE0] =	vst v1  }
0xa1: {  	[hbm4b:s0+s15] =	stream.strided.scatter [tilespmem:s23], [sflag:$0x4], $0x6400, s16, s15, $0x38;
	[tilespmem:$0x1DE80] =	vst v63  }
.Ltmp6:
0xa2: {  	(pc) =	sbr.rel .LBB2_10-.Ltmp6, $3  }
0xa3: {  	_ =	sdelay $0x1  }
0xa4: {  	s0 =	sadd.s32 s29, s13;
	s28 =	sadd.s32 $0x1, s28  }
0xa5: {  	[tilespmem:s18], [sflag:$0x2] =	stream.strided.gather [hbm4b:s0+s15], $0x6400, s16, s15, $0x38;
	[tilespmem:$0x1DE80] =	vst v63  }
.LBB2_2:
0xa6: {  	[tilespmem:s17], [sflag:$0x1] =	stream.strided.gather [hbm4b:s8+s15], $0x6400, s16, s15, $0x38;
	[tilespmem:$0x1DE80] =	vst v63  }
0xa7: {  	_ = 	snop  }
0xa8: {  	[tilespmem:s18], [sflag:$0x2] =	stream.strided.gather [hbm4b:s9+s15], $0x6400, s16, s15, $0x38;
	[tilespmem:$0x1DE80] =	vst v63  }
0xa9: {  	s28 =	simm.s32 $0x0  }
0xaa: {  	[tilespmem:s28], [sflag:$0x5] =	stream.linear.gather [hbm4b:s1+s28], $0x4E80, $0x38;
	[tilespmem:$0x1DE80] =	vst v63  }
0xab: {  	_ =	swait.ge [sflag:s19], $0x4E80  }
0xac: {  	[sflag:s19] =	ssyncset.done $0x0  }
0xad: {  	[sflag:s19] =	ssyncadd.s32 $0xFFFFB180  }
.LBB2_3:
0xae: {  	_ =	swait.ge [sflag:s20], $0x6400  }
0xaf: {  	p1 =	seq.s32 s28, $0x0;
	[sflag:s20] =	ssyncset.done $0x0  }
0xb0: {  	s0 =	simm.s32 @!p1 $0x3;
	[sflag:s20] =	ssyncadd.s32 $0xFFFF9C00  }
0xb1: {  	_ =	swait.ge @!p1 [sflag:s0], $0x6400  }
0xb2: {  	[sflag:s0] =	ssyncset.done @!p1 $0x0  }
0xb3: {  	s30 =	simm.s32 $0x0;
	[sflag:s0] =	ssyncadd.s32 @!p1 $0xFFFF9C00  }
0xb4: {  	v0 =	vld [tilespmem:s30+$0x4E80]  }
0xb5: {  	v1 =	vld [tilespmem:s30+$0x4EF0]  }
0xb6: {  	v2 =	vld [tilespmem:s30+$0x4E90]  }
0xb7: {  	v3 =	vld [tilespmem:s30+$0x4EA0]  }
0xb8: {  	v4 =	vld [tilespmem:s30+$0x4EB0]  }
0xb9: {  	v7 =	vld [tilespmem:s30+$0x4EC0]  }
0xba: {  	v8 =	vld [tilespmem:s30+$0x4ED0]  }
0xbb: {  	v9 =	vld [tilespmem:s30+$0x4EE0]  }
0xbc: {  	v10 =	vld.idx.msk [tilespmem:v0+s6+$0x0], $0xffff  }
0xbd: {  	v1 =	vld.idx.msk [tilespmem:v1+s6+$0x0], $0xffff  }
0xbe: {  	v6 =	vld.idx.msk [tilespmem:v2+s6+$0x0], $0xffff  }
0xbf: {  	v5 =	vld.idx.msk [tilespmem:v3+s6+$0x0], $0xffff  }
0xc0: {  	v4 =	vld.idx.msk [tilespmem:v4+s6+$0x0], $0xffff  }
0xc1: {  	v3 =	vld.idx.msk [tilespmem:v7+s6+$0x0], $0xffff  }
0xc2: {  	v2 =	vld.idx.msk [tilespmem:v8+s6+$0x0], $0xffff  }
0xc3: {  	s31 =	simm.s32 $0x80;
	s5 =	sshll.u32 s28, $0x8;
	v0 =	vld.idx.msk [tilespmem:v9+s6+$0x0], $0xffff;
	[tilespmem:s30+$0x116F0] =	vst v1  }
0xc4: {  	s29 =	sor.u32 s7, s5;
	s0 =	simm.s32 $0x400;
	v1 =	vld [tilespmem:s31+$0x4E80];
	[tilespmem:s30+$0x11680] =	vst v10  }
.LBB2_4:
0xc5: {  	p2 =	sne.s32 s0, $0x18E00;
	v7 =	vld [tilespmem:s31+$0x4EF0];
	[tilespmem:s30+$0x11690] =	vst v6  }
0xc6: {  	v6 =	vld [tilespmem:s31+$0x4E90];
	[tilespmem:s30+$0x116A0] =	vst v5  }
0xc7: {  	v5 =	vld [tilespmem:s31+$0x4EA0];
	[tilespmem:s30+$0x116B0] =	vst v4  }
0xc8: {  	v4 =	vld [tilespmem:s31+$0x4EB0];
	[tilespmem:s30+$0x116C0] =	vst v3  }
0xc9: {  	v3 =	vld [tilespmem:s31+$0x4EC0];
	[tilespmem:s30+$0x116D0] =	vst v2  }
0xca: {  	v2 =	vld [tilespmem:s31+$0x4ED0];
	[tilespmem:s30+$0x116E0] =	vst v0;
	s30 =	smov.u32 s31  }
0xcb: {  	v0 =	vld [tilespmem:s30+$0x4EE0]  }
0xcc: {  	v8 =	vld.idx.msk [tilespmem:v1+s6+$0x0], $0xffff  }
0xcd: {  	v1 =	vld.idx.msk [tilespmem:v7+s6+$0x0], $0xffff  }
0xce: {  	v6 =	vld.idx.msk [tilespmem:v6+s6+$0x0], $0xffff  }
0xcf: {  	v5 =	vld.idx.msk [tilespmem:v5+s6+$0x0], $0xffff  }
.Ltmp7:
0xd0: {  	v4 =	vld.idx.msk [tilespmem:v4+s6+$0x0], $0xffff;
	(pc) =	sbr.rel @p2 .LBB2_4-.Ltmp7, $4  }
0xd1: {  	v3 =	vld.idx.msk [tilespmem:v3+s6+$0x0], $0xffff  }
0xd2: {  	v2 =	vld.idx.msk [tilespmem:v2+s6+$0x0], $0xffff  }
0xd3: {  	s31 =	sshra.s32 s0, $0x2;
	v0 =	vld.idx.msk [tilespmem:v0+s6+$0x0], $0xffff;
	[tilespmem:s30+$0x116F0] =	vst v1  }
0xd4: {  	s0 =	sadd.s32 $0x200, s0;
	v1 =	vld [tilespmem:s31+$0x4E80];
	[tilespmem:s30+$0x11680] =	vst v8  }
0xd5: {  	_ = 	snop  }
0xd6: {  	v7 =	vld [tilespmem:s31+$0x4EF0];
	[tilespmem:s30+$0x11690] =	vst v6  }
0xd7: {  	v6 =	vld [tilespmem:s31+$0x4E90];
	[tilespmem:s30+$0x116A0] =	vst v5  }
0xd8: {  	v5 =	vld [tilespmem:s31+$0x4EA0];
	[tilespmem:s30+$0x116B0] =	vst v4  }
0xd9: {  	v4 =	vld [tilespmem:s31+$0x4EB0];
	[tilespmem:s30+$0x116C0] =	vst v3  }
0xda: {  	v3 =	vld [tilespmem:s31+$0x4EC0];
	[tilespmem:s30+$0x116D0] =	vst v2  }
0xdb: {  	v2 =	vld [tilespmem:s31+$0x4ED0];
	[tilespmem:s30+$0x116E0] =	vst v0  }
0xdc: {  	v0 =	vld [tilespmem:s31+$0x4EE0]  }
0xdd: {  	v1 =	vld.idx.msk [tilespmem:v1+s6+$0x0], $0xffff  }
0xde: {  	v7 =	vld.idx.msk [tilespmem:v7+s6+$0x0], $0xffff  }
0xdf: {  	v6 =	vld.idx.msk [tilespmem:v6+s6+$0x0], $0xffff  }
0xe0: {  	v5 =	vld.idx.msk [tilespmem:v5+s6+$0x0], $0xffff  }
0xe1: {  	v4 =	vld.idx.msk [tilespmem:v4+s6+$0x0], $0xffff  }
0xe2: {  	v3 =	vld.idx.msk [tilespmem:v3+s6+$0x0], $0xffff  }
0xe3: {  	v2 =	vld.idx.msk [tilespmem:v2+s6+$0x0], $0xffff  }
0xe4: {  	v0 =	vld.idx.msk [tilespmem:v0+s6+$0x0], $0xffff;
	[tilespmem:s31+$0x116F0] =	vst v7  }
0xe5: {  	[tilespmem:s31+$0x11680] =	vst v1  }
0xe6: {  	[tilespmem:s31+$0x11690] =	vst v6  }
0xe7: {  	[tilespmem:s31+$0x116A0] =	vst v5  }
0xe8: {  	[tilespmem:s31+$0x116B0] =	vst v4  }
0xe9: {  	[tilespmem:s31+$0x116C0] =	vst v3  }
0xea: {  	p2 =	seq.s32 s28, $0x3;
	[tilespmem:s31+$0x116D0] =	vst v2  }
0xeb: {  	s0 =	sadd.s32 s3, s29;
	s5 =	simm.s32 @!p2 $0x4E80;
	[tilespmem:s31+$0x116E0] =	vst v0  }
0xec: {  	[hbm4b:s0+s15] =	stream.strided.scatter [tilespmem:s21], [sflag:$0x3], $0x6400, s16, s15, $0x38;
	[tilespmem:$0x1DE80] =	vst v63  }
0xed: {  	s30 =	simm.s32 @!p2 $0x400;
	s31 =	simm.s32 @!p2 $0x20000;
	s0 =	sadd.s32 @!p2 s29, s10  }
0xee: {  	[tilespmem:s5], [sflag:$0x1] =	stream.strided.gather @!p2 [hbm4b:s0+s30], $0x6400, s31, s30, $0x38;
	[tilespmem:$0x1DE80] =	vst v63  }
0xef: {  	_ =	swait.ge [sflag:s22], $0x6400  }
0xf0: {  	[sflag:s22] =	ssyncset.done $0x0  }
0xf1: {  	s0 =	simm.s32 @!p1 $0x4;
	[sflag:s22] =	ssyncadd.s32 $0xFFFF9C00  }
0xf2: {  	_ =	swait.ge @!p1 [sflag:s0], $0x6400  }
0xf3: {  	[sflag:s0] =	ssyncset.done @!p1 $0x0  }
0xf4: {  	s30 =	simm.s32 $0x0;
	[sflag:s0] =	ssyncadd.s32 @!p1 $0xFFFF9C00  }
0xf5: {  	v0 =	vld [tilespmem:s30+$0xB280]  }
0xf6: {  	v1 =	vld [tilespmem:s30+$0xB2F0]  }
0xf7: {  	v2 =	vld [tilespmem:s30+$0xB290]  }
0xf8: {  	v3 =	vld [tilespmem:s30+$0xB2A0]  }
0xf9: {  	v4 =	vld [tilespmem:s30+$0xB2B0]  }
0xfa: {  	v7 =	vld [tilespmem:s30+$0xB2C0]  }
0xfb: {  	v8 =	vld [tilespmem:s30+$0xB2D0]  }
0xfc: {  	v9 =	vld [tilespmem:s30+$0xB2E0]  }
0xfd: {  	v10 =	vld.idx.msk [tilespmem:v0+s6+$0x0], $0xffff  }
0xfe: {  	v0 =	vld.idx.msk [tilespmem:v1+s6+$0x0], $0xffff  }
0xff: {  	v6 =	vld.idx.msk [tilespmem:v2+s6+$0x0], $0xffff  }
0x100: {  	v5 =	vld.idx.msk [tilespmem:v3+s6+$0x0], $0xffff  }
0x101: {  	v4 =	vld.idx.msk [tilespmem:v4+s6+$0x0], $0xffff  }
0x102: {  	v3 =	vld.idx.msk [tilespmem:v7+s6+$0x0], $0xffff  }
0x103: {  	v2 =	vld.idx.msk [tilespmem:v8+s6+$0x0], $0xffff  }
0x104: {  	s31 =	simm.s32 $0x80;
	v1 =	vld.idx.msk [tilespmem:v9+s6+$0x0], $0xffff;
	[tilespmem:s30+$0x17AF0] =	vst v0  }
0x105: {  	s29 =	sor.u32 $0x80, s29;
	s0 =	simm.s32 $0x400;
	v0 =	vld [tilespmem:s31+$0xB280];
	[tilespmem:s30+$0x17A80] =	vst v10  }
.LBB2_6:
0x106: {  	p1 =	sne.s32 s0, $0x18E00;
	v7 =	vld [tilespmem:s31+$0xB2F0];
	[tilespmem:s30+$0x17A90] =	vst v6  }
0x107: {  	v6 =	vld [tilespmem:s31+$0xB290];
	[tilespmem:s30+$0x17AA0] =	vst v5  }
0x108: {  	v5 =	vld [tilespmem:s31+$0xB2A0];
	[tilespmem:s30+$0x17AB0] =	vst v4  }
0x109: {  	v4 =	vld [tilespmem:s31+$0xB2B0];
	[tilespmem:s30+$0x17AC0] =	vst v3  }
0x10a: {  	v3 =	vld [tilespmem:s31+$0xB2C0];
	[tilespmem:s30+$0x17AD0] =	vst v2  }
0x10b: {  	v2 =	vld [tilespmem:s31+$0xB2D0];
	[tilespmem:s30+$0x17AE0] =	vst v1;
	s30 =	smov.u32 s31  }
0x10c: {  	v1 =	vld [tilespmem:s30+$0xB2E0]  }
0x10d: {  	v8 =	vld.idx.msk [tilespmem:v0+s6+$0x0], $0xffff  }
0x10e: {  	v0 =	vld.idx.msk [tilespmem:v7+s6+$0x0], $0xffff  }
0x10f: {  	v6 =	vld.idx.msk [tilespmem:v6+s6+$0x0], $0xffff  }
0x110: {  	v5 =	vld.idx.msk [tilespmem:v5+s6+$0x0], $0xffff  }
.Ltmp8:
0x111: {  	v4 =	vld.idx.msk [tilespmem:v4+s6+$0x0], $0xffff;
	(pc) =	sbr.rel @p1 .LBB2_6-.Ltmp8, $4  }
0x112: {  	v3 =	vld.idx.msk [tilespmem:v3+s6+$0x0], $0xffff  }
0x113: {  	v2 =	vld.idx.msk [tilespmem:v2+s6+$0x0], $0xffff  }
0x114: {  	s31 =	sshra.s32 s0, $0x2;
	v1 =	vld.idx.msk [tilespmem:v1+s6+$0x0], $0xffff;
	[tilespmem:s30+$0x17AF0] =	vst v0  }
0x115: {  	s0 =	sadd.s32 $0x200, s0;
	v0 =	vld [tilespmem:s31+$0xB280];
	[tilespmem:s30+$0x17A80] =	vst v8  }
0x116: {  	_ = 	snop  }
0x117: {  	v7 =	vld [tilespmem:s31+$0xB2F0];
	[tilespmem:s30+$0x17A90] =	vst v6  }
0x118: {  	v6 =	vld [tilespmem:s31+$0xB290];
	[tilespmem:s30+$0x17AA0] =	vst v5  }
0x119: {  	v5 =	vld [tilespmem:s31+$0xB2A0];
	[tilespmem:s30+$0x17AB0] =	vst v4  }
0x11a: {  	v4 =	vld [tilespmem:s31+$0xB2B0];
	[tilespmem:s30+$0x17AC0] =	vst v3  }
0x11b: {  	v3 =	vld [tilespmem:s31+$0xB2C0];
	[tilespmem:s30+$0x17AD0] =	vst v2  }
0x11c: {  	v2 =	vld [tilespmem:s31+$0xB2D0];
	[tilespmem:s30+$0x17AE0] =	vst v1  }
0x11d: {  	v1 =	vld [tilespmem:s31+$0xB2E0]  }
0x11e: {  	v0 =	vld.idx.msk [tilespmem:v0+s6+$0x0], $0xffff  }
0x11f: {  	v7 =	vld.idx.msk [tilespmem:v7+s6+$0x0], $0xffff  }
0x120: {  	v6 =	vld.idx.msk [tilespmem:v6+s6+$0x0], $0xffff  }
0x121: {  	v5 =	vld.idx.msk [tilespmem:v5+s6+$0x0], $0xffff  }
0x122: {  	v4 =	vld.idx.msk [tilespmem:v4+s6+$0x0], $0xffff  }
0x123: {  	v3 =	vld.idx.msk [tilespmem:v3+s6+$0x0], $0xffff  }
0x124: {  	v2 =	vld.idx.msk [tilespmem:v2+s6+$0x0], $0xffff  }
0x125: {  	v1 =	vld.idx.msk [tilespmem:v1+s6+$0x0], $0xffff;
	[tilespmem:s31+$0x17AF0] =	vst v7  }
0x126: {  	[tilespmem:s31+$0x17A80] =	vst v0  }
0x127: {  	[tilespmem:s31+$0x17A90] =	vst v6  }
0x128: {  	[tilespmem:s31+$0x17AA0] =	vst v5  }
.Ltmp9:
0x129: {  	[tilespmem:s31+$0x17AB0] =	vst v4;
	(pc) =	sbr.rel @p2 .LBB2_16-.Ltmp9, $4  }
0x12a: {  	[tilespmem:s31+$0x17AC0] =	vst v3  }
0x12b: {  	[tilespmem:s31+$0x17AD0] =	vst v2  }
0x12c: {  	s0 =	sadd.s32 s3, s29;
	[tilespmem:s31+$0x17AE0] =	vst v1  }
0x12d: {  	[hbm4b:s0+s15] =	stream.strided.scatter [tilespmem:s23], [sflag:$0x4], $0x6400, s16, s15, $0x38;
	[tilespmem:$0x1DE80] =	vst v63  }
.Ltmp10:
0x12e: {  	(pc) =	sbr.rel .LBB2_3-.Ltmp10, $3  }
0x12f: {  	_ =	sdelay $0x1  }
0x130: {  	s0 =	sadd.s32 s29, s10;
	s28 =	sadd.s32 $0x1, s28  }
0x131: {  	[tilespmem:s18], [sflag:$0x2] =	stream.strided.gather [hbm4b:s0+s15], $0x6400, s16, s15, $0x38;
	[tilespmem:$0x1DE80] =	vst v63  }
.LBB2_17:
0x132: {  	_ =	sfence.sel $0x180000  }
0x133: {  	[bflag:$0x0] =	sbarrier.arrive $0xFFFF  }
0x134: {  	_ =	strace $0x90000047  }
0x135: {  	s0 =	stileid.u32;
	[bflag:$0x2] =	sbarrier.arrive $0xFFFF  }
0x136: {  	p0 =	sne.s32 s0, $0x0;
	s0 =	rddreg [dreg:$0x6]  }
0x137: {  	s0 =	sadd.s32 @!p0 $0x100000, s0  }
0x138: {  	[sflag:s0] =	ssyncadd.tile.s32 @!p0 $0x1;
	_ =	shalt  }
.Lfunc_end2:
_tile_overlayer_lowered:
.L_overlay_start_2:
0x139: {  	(tag) =	ssettag $0x2  }
0x13a: {  	s0 =	rddreg [dreg:$0x0];
	s2 =	stileid.u32  }
0x13b: {  	s1 =	rddreg [dreg:$0x1];
	p0 =	sne.s32 s2, $0x0  }
0x13c: {  	s3 =	rddreg [dreg:$0x2];
	[bflag:$0x3] =	sbarrier.arrive $0xFFFF;
	s2 =	simm.s32 @!p0 $0x1C05  }
0x13d: {  	[timem:s3], [sflag:s2] =	dma.local @!p0 [hbm:s0], s1  }
0x13e: {  	s0 =	simm.s32 @!p0 $0x5  }
0x13f: {  	_ =	swait.ge @!p0 [sflag:s0], s1  }
0x140: {  	s1 =	ssub.s32 @!p0 $0x0, s1;
	[sflag:s0] =	ssyncset.done @!p0 $0x0  }
0x141: {  	[sflag:s0] =	ssyncadd.s32 @!p0 s1  }
0x142: {  	[bflag:$0x3] =	sbarrier.arrive $0xFFFF  }
0x143: {  	_ =	shalt  }

</sc_bundles>
